<compile_context>
chip_gen: v7x
topology: tpu7x:2x2x1
jax: 0.10.2.dev20260603
libtpu: 0.0.44.dev20260713+nightly
codegen_flags: <defaults>
</compile_context>

<pallas_src>
import functools

import numpy as np

import jax
import jax.numpy as jnp
from jax import lax
from jax.experimental import pallas as pl
from jax.experimental.pallas import tpu as pltpu
from jax.experimental.pallas import tpu_sc as plsc

N_GRAPHS_C = 16384
N_NODES_C = 10
N_EDGES_C = 50
D_IN_C = 4
D_HID_C = 16
N_CLASSES_C = 5

NC = 2
NS = 16
LANES = 16

NW = NC * NS
GPW = N_GRAPHS_C // NW
GPC = 128
NCHUNK = GPW // GPC
NGC = GPC // LANES

ROW = 128
XW = N_NODES_C * D_IN_C
EW = 2 * N_EDGES_C
X_CHUNK = GPC * XW
E_CHUNK = GPC * EW
Y_CHUNK = GPC * ROW
NODES_G = LANES * N_NODES_C

_REPACK_PATS = []
for _k in range(5):
    _w = np.arange(16) + 16 * _k
    _REPACK_PATS.append(((_w // XW) * ROW + _w % XW).astype(np.int32))


def _sc_aggregate(x_flat, e_flat, table):
    mesh = plsc.VectorSubcoreMesh(
        core_axis_name="c", subcore_axis_name="s",
        num_cores=NC, num_subcores=NS)

    @functools.partial(
        pl.kernel,
        out_type=jax.ShapeDtypeStruct((N_GRAPHS_C * ROW,), jnp.float32),
        mesh=mesh,
        scratch_types=[
            pltpu.VMEM((64,), jnp.float32),
            pltpu.VMEM((X_CHUNK,), jnp.float32),
            pltpu.VMEM((E_CHUNK,), jnp.int32),
            pltpu.VMEM((X_CHUNK,), jnp.float32),
            pltpu.VMEM((Y_CHUNK,), jnp.float32),
            pltpu.VMEM((NODES_G,), jnp.float32),
            pltpu.VMEM((NODES_G,), jnp.float32),
        ],
        compiler_params=pltpu.CompilerParams(needs_layout_passes=False),
    )
    def agg(x_hbm, e_hbm, t_hbm, y_hbm, tab, xb, eb, yb, yr, deg, dnv):
        wid = lax.axis_index("s") * NC + lax.axis_index("c")
        pltpu.sync_copy(t_hbm, tab)
        iota = lax.iota(jnp.int32, LANES)
        offs = iota * N_NODES_C
        ones = jnp.ones((LANES,), jnp.float32)
        zeros = jnp.zeros((LANES,), jnp.float32)
        pats = []
        for k in range(5):
            w = iota + 16 * k
            pats.append(w + jnp.where(w >= XW, ROW - XW, 0))

        def chunk_body(ci, _):
            g0 = wid * GPW + ci * GPC
            pltpu.sync_copy(x_hbm.at[pl.ds(g0 * XW, X_CHUNK)], xb)
            pltpu.sync_copy(e_hbm.at[pl.ds(g0 * EW, E_CHUNK)], eb)

            def group_body(gi, _):
                eb0 = gi * (LANES * EW)
                xob = gi * (LANES * XW)
                elane = iota * EW + eb0
                xlane = iota * XW + xob

                for t in range(N_NODES_C):
                    deg[pl.ds(t * 16, 16)] = zeros

                def deg_body(j):
                    dd = plsc.load_gather(eb, [elane + (N_EDGES_C + j)])
                    plsc.addupdate_scatter(deg, [dd + offs], ones)
                plsc.parallel_loop(0, N_EDGES_C, 1, unroll=10)(deg_body)

                def dinv_body(t):
                    dv = deg[pl.ds(t * 16, 16)] + 1.0
                    di = dv.astype(jnp.int32)
                    r = plsc.load_gather(tab, [di])
                    dnv[pl.ds(t * 16, 16)] = r
                    r2 = r * r
                    x4 = xob + (t * 16 + iota) * D_IN_C
                    for c in range(D_IN_C):
                        xv = plsc.load_gather(xb, [x4 + c])
                        plsc.store_scatter(yb, [x4 + c], xv * r2)
                plsc.parallel_loop(0, N_NODES_C, 1, unroll=5)(dinv_body)

                def main_body(j):
                    ss = plsc.load_gather(eb, [elane + j])
                    dd = plsc.load_gather(eb, [elane + (N_EDGES_C + j)])
                    nrm = (plsc.load_gather(dnv, [ss + offs])
                           * plsc.load_gather(dnv, [dd + offs]))
                    xs = xlane + ss * D_IN_C
                    yd = xlane + dd * D_IN_C
                    for c in range(D_IN_C):
                        xv = plsc.load_gather(xb, [xs + c])
                        plsc.addupdate_scatter(yb, [yd + c], xv * nrm)
                plsc.parallel_loop(0, N_EDGES_C, 1, unroll=5)(main_body)
                return 0
            lax.fori_loop(0, NGC, group_body, 0)

            def repack_body(m):
                src = m * (2 * XW)
                dst = m * (2 * ROW)
                for k in range(5):
                    v = yb[pl.ds(src + 16 * k, 16)]
                    plsc.store_scatter(yr, [dst + pats[k]], v)
            plsc.parallel_loop(0, GPC // 2, 1, unroll=4)(repack_body)

            pltpu.sync_copy(yr, y_hbm.at[pl.ds(g0 * ROW, Y_CHUNK)])
            return 0
        lax.fori_loop(0, NCHUNK, chunk_body, 0)

    return agg(x_flat, e_flat, table)


def _tc_body(y_ref, wc_ref, bc_ref, wl_ref, bl_ref, out_ref):
    y2 = y_ref[:, :XW]
    h = jnp.dot(y2, wc_ref[...], preferred_element_type=jnp.float32)
    h = jnp.maximum(h + bc_ref[...], 0.0)
    lg = jnp.dot(h, wl_ref[...], preferred_element_type=jnp.float32)
    lg = lg + bl_ref[...]
    m = jnp.max(lg, axis=1, keepdims=True)
    e = jnp.exp(lg - m)
    s = jnp.sum(e, axis=1, keepdims=True)
    out_ref[...] = (lg - m) - jnp.log(s)


def _tc_head(y_rows, wc_big, bc_big, wl_t, bl):
    B = 2048
    grid = (N_GRAPHS_C // B,)
    return pl.pallas_call(
        _tc_body,
        grid=grid,
        in_specs=[
            pl.BlockSpec((B, ROW), lambda i: (i, 0)),
            pl.BlockSpec((XW, N_NODES_C * D_HID_C), lambda i: (0, 0)),
            pl.BlockSpec((1, N_NODES_C * D_HID_C), lambda i: (0, 0)),
            pl.BlockSpec((N_NODES_C * D_HID_C, N_CLASSES_C), lambda i: (0, 0)),
            pl.BlockSpec((1, N_CLASSES_C), lambda i: (0, 0)),
        ],
        out_specs=pl.BlockSpec((B, N_CLASSES_C), lambda i: (i, 0)),
        out_shape=jax.ShapeDtypeStruct((N_GRAPHS_C, N_CLASSES_C), jnp.float32),
    )(y_rows, wc_big, bc_big, wl_t, bl)


@jax.jit
def kernel(x_batch, edge_index_batch, W_conv, b_conv, W_lin, b_lin):
    ar = jnp.arange(64, dtype=jnp.float32)
    table = jnp.where(ar > 0, 1.0 / jnp.sqrt(jnp.maximum(ar, 1.0)), 0.0)
    wc_big = jnp.kron(jnp.eye(N_NODES_C, dtype=jnp.float32), W_conv)
    bc_big = jnp.tile(b_conv, N_NODES_C).reshape(1, -1)

    xq = jax.lax.optimization_barrier(x_batch.reshape(N_GRAPHS_C, XW))
    eq = jax.lax.optimization_barrier(edge_index_batch.reshape(N_GRAPHS_C, EW))
    xc = jax.lax.optimization_barrier(xq.reshape(N_GRAPHS_C * XW // 128, 128))
    ec = jax.lax.optimization_barrier(eq.reshape(N_GRAPHS_C * EW // 128, 128))

    y_flat = _sc_aggregate(xc.reshape(-1), ec.reshape(-1), table)
    y_rows = y_flat.reshape(N_GRAPHS_C, ROW)
    return _tc_head(y_rows, wc_big, bc_big, W_lin.T, b_lin.reshape(1, -1))

# --- scband reference (transcript-rebuilt; emitter-appended) ---
"""Pipeline reference for scband-gcn-80238579024339 (READ-ONLY COPY).

The authoritative reference and input builder live on the scoring server;
editing this copy changes nothing except your own understanding.
"""

import jax, jax.numpy as jnp
import numpy as np

N_GRAPHS = 16384
N_NODES = 10
N_EDGES = 50
D_IN = 4
D_HID = 16
N_CLASSES = 5


def setup_inputs(seed: int = 0) -> dict:
    key = jax.random.key(seed)
    k1, k2, k3, k4 = jax.random.split(key, 4)
    x_batch = jax.random.normal(k1, (N_GRAPHS, N_NODES, D_IN), dtype=jnp.float32)
    edge_index_batch = jax.random.randint(k2, (N_GRAPHS, 2, N_EDGES), 0, N_NODES, dtype=jnp.int32)
    W_conv = jax.random.normal(k3, (D_IN, D_HID), dtype=jnp.float32) * 0.1
    b_conv = jnp.zeros((D_HID,), dtype=jnp.float32)
    W_lin = jax.random.normal(k4, (N_CLASSES, D_HID * N_NODES), dtype=jnp.float32) * 0.1
    b_lin = jnp.zeros((N_CLASSES,), dtype=jnp.float32)
    return {
        'x_batch': x_batch,
        'edge_index_batch': edge_index_batch,
        'W_conv': W_conv,
        'b_conv': b_conv,
        'W_lin': W_lin,
        'b_lin': b_lin,
    }


def _gcn_conv(x, edge_index, W, b):
    # torch_geometric GCNConv: add self-loops, symmetric normalization,
    # out[dst] += norm * (x @ W)[src], then + bias
    N = x.shape[0]
    src = edge_index[0]
    dst = edge_index[1]
    loop = jnp.arange(N, dtype=src.dtype)
    src = jnp.concatenate([src, loop])
    dst = jnp.concatenate([dst, loop])
    ew = jnp.ones(src.shape[0], dtype=x.dtype)
    deg = jnp.zeros((N,), dtype=x.dtype).at[dst].add(ew)
    deg_inv_sqrt = jnp.where(deg > 0, 1.0 / jnp.sqrt(deg), 0.0)
    norm = deg_inv_sqrt[src] * ew * deg_inv_sqrt[dst]
    h = x @ W
    msg = h[src] * norm[:, None]
    out = jnp.zeros((N, h.shape[1]), dtype=x.dtype).at[dst].add(msg)
    return out + b


def _single_graph(x, edge_index, W_conv, b_conv, W_lin, b_lin):
    h = _gcn_conv(x, edge_index, W_conv, b_conv)
    h = jax.nn.relu(h)
    logits = W_lin @ h.reshape(-1) + b_lin
    return jax.nn.log_softmax(logits, axis=0)


def reference(x_batch, edge_index_batch, W_conv, b_conv, W_lin, b_lin):
    f = jax.vmap(lambda x, ei: _single_graph(x, ei, W_conv, b_conv, W_lin, b_lin))
    return f(x_batch, edge_index_batch)

if __name__ == "__main__":
    import jax
    _d = setup_inputs()
    print(jax.jit(kernel)(*tuple(_d.values())))

</pallas_src>

<mosaic_0001>
#map = affine_map<(d0, d1) -> (0)>
module attributes {stable_mosaic.version = 14 : i64} {
  func.func @agg(%arg0: i32, %arg1: i32, %arg2: memref<655360xf32, #tpu.memory_space<hbm>>, %arg3: memref<1638400xi32, #tpu.memory_space<hbm>>, %arg4: memref<64xf32, #tpu.memory_space<hbm>>, %arg5: memref<2097152xf32, #tpu.memory_space<hbm>>, %arg6: memref<64xf32, #tpu.memory_space<vmem>>, %arg7: memref<5120xf32, #tpu.memory_space<vmem>>, %arg8: memref<12800xi32, #tpu.memory_space<vmem>>, %arg9: memref<5120xf32, #tpu.memory_space<vmem>>, %arg10: memref<16384xf32, #tpu.memory_space<vmem>>, %arg11: memref<160xf32, #tpu.memory_space<vmem>>, %arg12: memref<160xf32, #tpu.memory_space<vmem>>) attributes {dimension_semantics = [#tpu.dimension_semantics<core_parallel>, #tpu.dimension_semantics<subcore_parallel>], iteration_bounds = array<i64: 2, 16>, scalar_prefetch = 0 : i64, scratch_operands = 7 : i64, tpu.core_type = #tpu.core_type<sc_vector_subcore>, window_params = [{transform_indices = #map}, {transform_indices = #map}, {transform_indices = #map}, {transform_indices = #map}]} {
    %mul3A = arith.constant 2 : i32
    %mul3A_0 = arith.muli %arg1, %mul3A : i32
    %add3A = arith.addi %mul3A_0, %arg0 : i32
    "tpu.region"() ({
      %run_scoped3A = tpu.sem_alloc : memref<!tpu.dma_semaphore, #tpu.memory_space<semaphore_mem>>
      tpu.enqueue_dma source(%arg4 : memref<64xf32, #tpu.memory_space<hbm>>) target(%arg6 : memref<64xf32, #tpu.memory_space<vmem>>) target_semaphore(%run_scoped3A : memref<!tpu.dma_semaphore, #tpu.memory_space<semaphore_mem>>)
      tpu.wait_dma2 semaphore(%run_scoped3A : memref<!tpu.dma_semaphore, #tpu.memory_space<semaphore_mem>>) src(%arg4 : memref<64xf32, #tpu.memory_space<hbm>>) dst(%arg6 : memref<64xf32, #tpu.memory_space<vmem>>)
      tpu.yield
    }) : () -> ()
    %iota3A = tpu.iota {dimensions = array<i32: 0>} : vector<16xi32>
    %mul3A_1 = arith.constant 10 : i32
    %mul3A_2 = vector.broadcast %mul3A_1 : i32 to vector<16xi32>
    %mul3A_3 = arith.muli %iota3A, %mul3A_2 : vector<16xi32>
    %broadcast_in_dim3A = arith.constant 1.000000e+00 : f32
    %broadcast_in_dim3A_4 = vector.broadcast %broadcast_in_dim3A : f32 to vector<16xf32>
    %broadcast_in_dim3A_5 = arith.constant 0.000000e+00 : f32
    %broadcast_in_dim3A_6 = vector.broadcast %broadcast_in_dim3A_5 : f32 to vector<16xf32>
    %add3A_7 = arith.constant 0 : i32
    %add3A_8 = vector.broadcast %add3A_7 : i32 to vector<16xi32>
    %add3A_9 = arith.addi %iota3A, %add3A_8 : vector<16xi32>
    %ge3A = arith.constant 40 : i32
    %ge3A_10 = vector.broadcast %ge3A : i32 to vector<16xi32>
    %ge3A_11 = arith.cmpi sge, %add3A_9, %ge3A_10 : vector<16xi32>
    %jit3A = arith.constant 88 : i32
    %jit3A_12 = arith.constant 0 : i32
    %broadcast_in_dim3A_13 = vector.broadcast %jit3A : i32 to vector<16xi32>
    %broadcast_in_dim3A_14 = vector.broadcast %jit3A_12 : i32 to vector<16xi32>
    %select_n3A = arith.select %ge3A_11, %broadcast_in_dim3A_13, %broadcast_in_dim3A_14 : vector<16xi1>, vector<16xi32>
    %add3A_15 = arith.addi %add3A_9, %select_n3A : vector<16xi32>
    %add3A_16 = arith.constant 16 : i32
    %add3A_17 = vector.broadcast %add3A_16 : i32 to vector<16xi32>
    %add3A_18 = arith.addi %iota3A, %add3A_17 : vector<16xi32>
    %ge3A_19 = arith.constant 40 : i32
    %ge3A_20 = vector.broadcast %ge3A_19 : i32 to vector<16xi32>
    %ge3A_21 = arith.cmpi sge, %add3A_18, %ge3A_20 : vector<16xi32>
    %jit3A_22 = arith.constant 88 : i32
    %jit3A_23 = arith.constant 0 : i32
    %broadcast_in_dim3A_24 = vector.broadcast %jit3A_22 : i32 to vector<16xi32>
    %broadcast_in_dim3A_25 = vector.broadcast %jit3A_23 : i32 to vector<16xi32>
    %select_n3A_26 = arith.select %ge3A_21, %broadcast_in_dim3A_24, %broadcast_in_dim3A_25 : vector<16xi1>, vector<16xi32>
    %add3A_27 = arith.addi %add3A_18, %select_n3A_26 : vector<16xi32>
    %add3A_28 = arith.constant 32 : i32
    %add3A_29 = vector.broadcast %add3A_28 : i32 to vector<16xi32>
    %add3A_30 = arith.addi %iota3A, %add3A_29 : vector<16xi32>
    %ge3A_31 = arith.constant 40 : i32
    %ge3A_32 = vector.broadcast %ge3A_31 : i32 to vector<16xi32>
    %ge3A_33 = arith.cmpi sge, %add3A_30, %ge3A_32 : vector<16xi32>
    %jit3A_34 = arith.constant 88 : i32
    %jit3A_35 = arith.constant 0 : i32
    %broadcast_in_dim3A_36 = vector.broadcast %jit3A_34 : i32 to vector<16xi32>
    %broadcast_in_dim3A_37 = vector.broadcast %jit3A_35 : i32 to vector<16xi32>
    %select_n3A_38 = arith.select %ge3A_33, %broadcast_in_dim3A_36, %broadcast_in_dim3A_37 : vector<16xi1>, vector<16xi32>
    %add3A_39 = arith.addi %add3A_30, %select_n3A_38 : vector<16xi32>
    %add3A_40 = arith.constant 48 : i32
    %add3A_41 = vector.broadcast %add3A_40 : i32 to vector<16xi32>
    %add3A_42 = arith.addi %iota3A, %add3A_41 : vector<16xi32>
    %ge3A_43 = arith.constant 40 : i32
    %ge3A_44 = vector.broadcast %ge3A_43 : i32 to vector<16xi32>
    %ge3A_45 = arith.cmpi sge, %add3A_42, %ge3A_44 : vector<16xi32>
    %jit3A_46 = arith.constant 88 : i32
    %jit3A_47 = arith.constant 0 : i32
    %broadcast_in_dim3A_48 = vector.broadcast %jit3A_46 : i32 to vector<16xi32>
    %broadcast_in_dim3A_49 = vector.broadcast %jit3A_47 : i32 to vector<16xi32>
    %select_n3A_50 = arith.select %ge3A_45, %broadcast_in_dim3A_48, %broadcast_in_dim3A_49 : vector<16xi1>, vector<16xi32>
    %add3A_51 = arith.addi %add3A_42, %select_n3A_50 : vector<16xi32>
    %add3A_52 = arith.constant 64 : i32
    %add3A_53 = vector.broadcast %add3A_52 : i32 to vector<16xi32>
    %add3A_54 = arith.addi %iota3A, %add3A_53 : vector<16xi32>
    %ge3A_55 = arith.constant 40 : i32
    %ge3A_56 = vector.broadcast %ge3A_55 : i32 to vector<16xi32>
    %ge3A_57 = arith.cmpi sge, %add3A_54, %ge3A_56 : vector<16xi32>
    %jit3A_58 = arith.constant 88 : i32
    %jit3A_59 = arith.constant 0 : i32
    %broadcast_in_dim3A_60 = vector.broadcast %jit3A_58 : i32 to vector<16xi32>
    %broadcast_in_dim3A_61 = vector.broadcast %jit3A_59 : i32 to vector<16xi32>
    %select_n3A_62 = arith.select %ge3A_57, %broadcast_in_dim3A_60, %broadcast_in_dim3A_61 : vector<16xi1>, vector<16xi32>
    %add3A_63 = arith.addi %add3A_54, %select_n3A_62 : vector<16xi32>
    %scan3A = arith.constant 0 : i32
    %scan3A_64 = arith.constant 0 : i32
    %scan3A_65 = arith.constant 4 : i32
    %scan3A_66 = arith.addi %scan3A_64, %scan3A_65 : i32
    %scan3A_67 = arith.constant 1 : i32
    %scan3A_68 = scf.for %scan3A_70 = %scan3A_64 to %scan3A_66 step %scan3A_67 iter_args(%scan3A_71 = %scan3A) -> (i32)  : i32 {
      %mul3A_72 = arith.constant 512 : i32
      %mul3A_73 = arith.muli %add3A, %mul3A_72 : i32
      %mul3A_74 = arith.constant 128 : i32
      %mul3A_75 = arith.muli %scan3A_70, %mul3A_74 : i32
      %add3A_76 = arith.addi %mul3A_73, %mul3A_75 : i32
      %mul3A_77 = arith.constant 40 : i32
      %mul3A_78 = arith.muli %add3A_76, %mul3A_77 : i32
      "tpu.region"() ({
        %run_scoped3A = tpu.sem_alloc : memref<!tpu.dma_semaphore, #tpu.memory_space<semaphore_mem>>
        %dma_start3A = tpu.memref_slice %arg2[%mul3A_78] : memref<655360xf32, #tpu.memory_space<hbm>> -> memref<5120xf32, #tpu.memory_space<hbm>>
        %dma_start3A_93 = tpu.memref_slice %arg2[%mul3A_78] : memref<655360xf32, #tpu.memory_space<hbm>> -> memref<5120xf32, #tpu.memory_space<hbm>>
        tpu.enqueue_dma source(%dma_start3A_93 : memref<5120xf32, #tpu.memory_space<hbm>>) target(%arg7 : memref<5120xf32, #tpu.memory_space<vmem>>) target_semaphore(%run_scoped3A : memref<!tpu.dma_semaphore, #tpu.memory_space<semaphore_mem>>)
        %dma_wait3A = tpu.memref_slice %arg2[%mul3A_78] : memref<655360xf32, #tpu.memory_space<hbm>> -> memref<5120xf32, #tpu.memory_space<hbm>>
        %dma_wait3A_94 = tpu.memref_slice %arg2[%mul3A_78] : memref<655360xf32, #tpu.memory_space<hbm>> -> memref<5120xf32, #tpu.memory_space<hbm>>
        tpu.wait_dma2 semaphore(%run_scoped3A : memref<!tpu.dma_semaphore, #tpu.memory_space<semaphore_mem>>) src(%dma_wait3A_94 : memref<5120xf32, #tpu.memory_space<hbm>>) dst(%arg7 : memref<5120xf32, #tpu.memory_space<vmem>>)
        tpu.yield
      }) : () -> ()
      %mul3A_79 = arith.constant 100 : i32
      %mul3A_80 = arith.muli %add3A_76, %mul3A_79 : i32
      "tpu.region"() ({
        %run_scoped3A = tpu.sem_alloc : memref<!tpu.dma_semaphore, #tpu.memory_space<semaphore_mem>>
        %dma_start3A = tpu.memref_slice %arg3[%mul3A_80] : memref<1638400xi32, #tpu.memory_space<hbm>> -> memref<12800xi32, #tpu.memory_space<hbm>>
        %dma_start3A_93 = tpu.memref_slice %arg3[%mul3A_80] : memref<1638400xi32, #tpu.memory_space<hbm>> -> memref<12800xi32, #tpu.memory_space<hbm>>
        tpu.enqueue_dma source(%dma_start3A_93 : memref<12800xi32, #tpu.memory_space<hbm>>) target(%arg8 : memref<12800xi32, #tpu.memory_space<vmem>>) target_semaphore(%run_scoped3A : memref<!tpu.dma_semaphore, #tpu.memory_space<semaphore_mem>>)
        %dma_wait3A = tpu.memref_slice %arg3[%mul3A_80] : memref<1638400xi32, #tpu.memory_space<hbm>> -> memref<12800xi32, #tpu.memory_space<hbm>>
        %dma_wait3A_94 = tpu.memref_slice %arg3[%mul3A_80] : memref<1638400xi32, #tpu.memory_space<hbm>> -> memref<12800xi32, #tpu.memory_space<hbm>>
        tpu.wait_dma2 semaphore(%run_scoped3A : memref<!tpu.dma_semaphore, #tpu.memory_space<semaphore_mem>>) src(%dma_wait3A_94 : memref<12800xi32, #tpu.memory_space<hbm>>) dst(%arg8 : memref<12800xi32, #tpu.memory_space<vmem>>)
        tpu.yield
      }) : () -> ()
      %scan3A_81 = arith.constant 0 : i32
      %scan3A_82 = arith.constant 0 : i32
      %scan3A_83 = arith.constant 8 : i32
      %scan3A_84 = arith.addi %scan3A_82, %scan3A_83 : i32
      %scan3A_85 = arith.constant 1 : i32
      %scan3A_86 = scf.for %scan3A_93 = %scan3A_82 to %scan3A_84 step %scan3A_85 iter_args(%scan3A_94 = %scan3A_81) -> (i32)  : i32 {
        %mul3A_95 = arith.constant 1600 : i32
        %mul3A_96 = arith.muli %scan3A_93, %mul3A_95 : i32
        %mul3A_97 = arith.constant 640 : i32
        %mul3A_98 = arith.muli %scan3A_93, %mul3A_97 : i32
        %mul3A_99 = arith.constant 100 : i32
        %mul3A_100 = vector.broadcast %mul3A_99 : i32 to vector<16xi32>
        %mul3A_101 = arith.muli %iota3A, %mul3A_100 : vector<16xi32>
        %add3A_102 = vector.broadcast %mul3A_96 : i32 to vector<16xi32>
        %add3A_103 = arith.addi %mul3A_101, %add3A_102 : vector<16xi32>
        %mul3A_104 = arith.constant 40 : i32
        %mul3A_105 = vector.broadcast %mul3A_104 : i32 to vector<16xi32>
        %mul3A_106 = arith.muli %iota3A, %mul3A_105 : vector<16xi32>
        %add3A_107 = vector.broadcast %mul3A_98 : i32 to vector<16xi32>
        %add3A_108 = arith.addi %mul3A_106, %add3A_107 : vector<16xi32>
        %swap3A = arith.constant 0 : index
        %swap3A_109 = tpu.vector_load %arg11[%swap3A] {strides = array<i32>} : memref<160xf32, #tpu.memory_space<vmem>>, vector<16xf32>,
        tpu.vector_store %arg11[%swap3A], %broadcast_in_dim3A_6 {strides = array<i32>} : memref<160xf32, #tpu.memory_space<vmem>>, vector<16xf32>,
        %swap3A_110 = arith.constant 16 : index
        %swap3A_111 = tpu.vector_load %arg11[%swap3A_110] {strides = array<i32>} : memref<160xf32, #tpu.memory_space<vmem>>, vector<16xf32>,
        tpu.vector_store %arg11[%swap3A_110], %broadcast_in_dim3A_6 {strides = array<i32>} : memref<160xf32, #tpu.memory_space<vmem>>, vector<16xf32>,
        %swap3A_112 = arith.constant 32 : index
        %swap3A_113 = tpu.vector_load %arg11[%swap3A_112] {strides = array<i32>} : memref<160xf32, #tpu.memory_space<vmem>>, vector<16xf32>,
        tpu.vector_store %arg11[%swap3A_112], %broadcast_in_dim3A_6 {strides = array<i32>} : memref<160xf32, #tpu.memory_space<vmem>>, vector<16xf32>,
        %swap3A_114 = arith.constant 48 : index
        %swap3A_115 = tpu.vector_load %arg11[%swap3A_114] {strides = array<i32>} : memref<160xf32, #tpu.memory_space<vmem>>, vector<16xf32>,
        tpu.vector_store %arg11[%swap3A_114], %broadcast_in_dim3A_6 {strides = array<i32>} : memref<160xf32, #tpu.memory_space<vmem>>, vector<16xf32>,
        %swap3A_116 = arith.constant 64 : index
        %swap3A_117 = tpu.vector_load %arg11[%swap3A_116] {strides = array<i32>} : memref<160xf32, #tpu.memory_space<vmem>>, vector<16xf32>,
        tpu.vector_store %arg11[%swap3A_116], %broadcast_in_dim3A_6 {strides = array<i32>} : memref<160xf32, #tpu.memory_space<vmem>>, vector<16xf32>,
        %swap3A_118 = arith.constant 80 : index
        %swap3A_119 = tpu.vector_load %arg11[%swap3A_118] {strides = array<i32>} : memref<160xf32, #tpu.memory_space<vmem>>, vector<16xf32>,
        tpu.vector_store %arg11[%swap3A_118], %broadcast_in_dim3A_6 {strides = array<i32>} : memref<160xf32, #tpu.memory_space<vmem>>, vector<16xf32>,
        %swap3A_120 = arith.constant 96 : index
        %swap3A_121 = tpu.vector_load %arg11[%swap3A_120] {strides = array<i32>} : memref<160xf32, #tpu.memory_space<vmem>>, vector<16xf32>,
        tpu.vector_store %arg11[%swap3A_120], %broadcast_in_dim3A_6 {strides = array<i32>} : memref<160xf32, #tpu.memory_space<vmem>>, vector<16xf32>,
        %swap3A_122 = arith.constant 112 : index
        %swap3A_123 = tpu.vector_load %arg11[%swap3A_122] {strides = array<i32>} : memref<160xf32, #tpu.memory_space<vmem>>, vector<16xf32>,
        tpu.vector_store %arg11[%swap3A_122], %broadcast_in_dim3A_6 {strides = array<i32>} : memref<160xf32, #tpu.memory_space<vmem>>, vector<16xf32>,
        %swap3A_124 = arith.constant 128 : index
        %swap3A_125 = tpu.vector_load %arg11[%swap3A_124] {strides = array<i32>} : memref<160xf32, #tpu.memory_space<vmem>>, vector<16xf32>,
        tpu.vector_store %arg11[%swap3A_124], %broadcast_in_dim3A_6 {strides = array<i32>} : memref<160xf32, #tpu.memory_space<vmem>>, vector<16xf32>,
        %swap3A_126 = arith.constant 144 : index
        %swap3A_127 = tpu.vector_load %arg11[%swap3A_126] {strides = array<i32>} : memref<160xf32, #tpu.memory_space<vmem>>, vector<16xf32>,
        tpu.vector_store %arg11[%swap3A_126], %broadcast_in_dim3A_6 {strides = array<i32>} : memref<160xf32, #tpu.memory_space<vmem>>, vector<16xf32>,
        %parallel_loop3A_128 = arith.constant 0 : i32
        %parallel_loop3A_129 = arith.constant 50 : i32
        %parallel_loop3A_130 = arith.constant 1 : i32
        scf.for %parallel_loop3A_138 = %parallel_loop3A_128 to %parallel_loop3A_129 step %parallel_loop3A_130  : i32 {
          %parallel_loop3A_139 = arith.constant 50 : i32
          %parallel_loop3A_140 = arith.addi %parallel_loop3A_139, %parallel_loop3A_138 : i32
          %parallel_loop3A_141 = vector.broadcast %parallel_loop3A_140 : i32 to vector<16xi32>
          %parallel_loop3A_142 = arith.addi %add3A_103, %parallel_loop3A_141 : vector<16xi32>
          %parallel_loop3A_143 = tpu.vector_load_idx %arg8[%parallel_loop3A_142] : memref<12800xi32, #tpu.memory_space<vmem>>[vector<16xi32>], vector<16xi32>,
          %parallel_loop3A_144 = arith.addi %parallel_loop3A_143, %mul3A_3 : vector<16xi32>
          tpu.vector_store_idx %arg11[%parallel_loop3A_144], %broadcast_in_dim3A_4 {add = true} : memref<160xf32, #tpu.memory_space<vmem>>[vector<16xi32>], vector<16xf32>,
        } {sc.loop_unroll_factor = 10 : i64, sc.parallel_access}
        %parallel_loop3A_131 = arith.constant 0 : i32
        %parallel_loop3A_132 = arith.constant 10 : i32
        %parallel_loop3A_133 = arith.constant 1 : i32
        scf.for %parallel_loop3A_138 = %parallel_loop3A_131 to %parallel_loop3A_132 step %parallel_loop3A_133  : i32 {
          %parallel_loop3A_139 = arith.constant 16 : i32
          %parallel_loop3A_140 = arith.muli %parallel_loop3A_138, %parallel_loop3A_139 : i32
          %parallel_loop3A_141 = arith.index_cast %parallel_loop3A_140 : i32 to index
          %parallel_loop3A_142 = tpu.vector_load %arg11[%parallel_loop3A_141] {strides = array<i32>} : memref<160xf32, #tpu.memory_space<vmem>>, vector<16xf32>,
          %parallel_loop3A_143 = arith.constant 1.000000e+00 : f32
          %parallel_loop3A_144 = vector.broadcast %parallel_loop3A_143 : f32 to vector<16xf32>
          %parallel_loop3A_145 = arith.addf %parallel_loop3A_142, %parallel_loop3A_144 : vector<16xf32>
          %parallel_loop3A_146 = arith.fptosi %parallel_loop3A_145 : vector<16xf32> to vector<16xi32>
          %parallel_loop3A_147 = tpu.vector_load_idx %arg6[%parallel_loop3A_146] : memref<64xf32, #tpu.memory_space<vmem>>[vector<16xi32>], vector<16xf32>,
          %parallel_loop3A_148 = arith.constant 16 : i32
          %parallel_loop3A_149 = arith.muli %parallel_loop3A_138, %parallel_loop3A_148 : i32
          %parallel_loop3A_150 = arith.index_cast %parallel_loop3A_149 : i32 to index
          %parallel_loop3A_151 = tpu.vector_load %arg12[%parallel_loop3A_150] {strides = array<i32>} : memref<160xf32, #tpu.memory_space<vmem>>, vector<16xf32>,
          tpu.vector_store %arg12[%parallel_loop3A_150], %parallel_loop3A_147 {strides = array<i32>} : memref<160xf32, #tpu.memory_space<vmem>>, vector<16xf32>,
          %parallel_loop3A_152 = arith.mulf %parallel_loop3A_147, %parallel_loop3A_147 : vector<16xf32>
          %parallel_loop3A_153 = arith.constant 16 : i32
          %parallel_loop3A_154 = arith.muli %parallel_loop3A_138, %parallel_loop3A_153 : i32
          %parallel_loop3A_155 = vector.broadcast %parallel_loop3A_154 : i32 to vector<16xi32>
          %parallel_loop3A_156 = arith.addi %parallel_loop3A_155, %iota3A : vector<16xi32>
          %parallel_loop3A_157 = arith.constant 4 : i32
          %parallel_loop3A_158 = vector.broadcast %parallel_loop3A_157 : i32 to vector<16xi32>
          %parallel_loop3A_159 = arith.muli %parallel_loop3A_156, %parallel_loop3A_158 : vector<16xi32>
          %parallel_loop3A_160 = vector.broadcast %mul3A_98 : i32 to vector<16xi32>
          %parallel_loop3A_161 = arith.addi %parallel_loop3A_160, %parallel_loop3A_159 : vector<16xi32>
          %parallel_loop3A_162 = arith.constant 0 : i32
          %parallel_loop3A_163 = vector.broadcast %parallel_loop3A_162 : i32 to vector<16xi32>
          %parallel_loop3A_164 = arith.addi %parallel_loop3A_161, %parallel_loop3A_163 : vector<16xi32>
          %parallel_loop3A_165 = tpu.vector_load_idx %arg7[%parallel_loop3A_164] : memref<5120xf32, #tpu.memory_space<vmem>>[vector<16xi32>], vector<16xf32>,
          %parallel_loop3A_166 = arith.constant 0 : i32
          %parallel_loop3A_167 = vector.broadcast %parallel_loop3A_166 : i32 to vector<16xi32>
          %parallel_loop3A_168 = arith.addi %parallel_loop3A_161, %parallel_loop3A_167 : vector<16xi32>
          %parallel_loop3A_169 = arith.mulf %parallel_loop3A_165, %parallel_loop3A_152 : vector<16xf32>
          tpu.vector_store_idx %arg9[%parallel_loop3A_168], %parallel_loop3A_169 : memref<5120xf32, #tpu.memory_space<vmem>>[vector<16xi32>], vector<16xf32>,
          %parallel_loop3A_170 = arith.constant 1 : i32
          %parallel_loop3A_171 = vector.broadcast %parallel_loop3A_170 : i32 to vector<16xi32>
          %parallel_loop3A_172 = arith.addi %parallel_loop3A_161, %parallel_loop3A_171 : vector<16xi32>
          %parallel_loop3A_173 = tpu.vector_load_idx %arg7[%parallel_loop3A_172] : memref<5120xf32, #tpu.memory_space<vmem>>[vector<16xi32>], vector<16xf32>,
          %parallel_loop3A_174 = arith.constant 1 : i32
          %parallel_loop3A_175 = vector.broadcast %parallel_loop3A_174 : i32 to vector<16xi32>
          %parallel_loop3A_176 = arith.addi %parallel_loop3A_161, %parallel_loop3A_175 : vector<16xi32>
          %parallel_loop3A_177 = arith.mulf %parallel_loop3A_173, %parallel_loop3A_152 : vector<16xf32>
          tpu.vector_store_idx %arg9[%parallel_loop3A_176], %parallel_loop3A_177 : memref<5120xf32, #tpu.memory_space<vmem>>[vector<16xi32>], vector<16xf32>,
          %parallel_loop3A_178 = arith.constant 2 : i32
          %parallel_loop3A_179 = vector.broadcast %parallel_loop3A_178 : i32 to vector<16xi32>
          %parallel_loop3A_180 = arith.addi %parallel_loop3A_161, %parallel_loop3A_179 : vector<16xi32>
          %parallel_loop3A_181 = tpu.vector_load_idx %arg7[%parallel_loop3A_180] : memref<5120xf32, #tpu.memory_space<vmem>>[vector<16xi32>], vector<16xf32>,
          %parallel_loop3A_182 = arith.constant 2 : i32
          %parallel_loop3A_183 = vector.broadcast %parallel_loop3A_182 : i32 to vector<16xi32>
          %parallel_loop3A_184 = arith.addi %parallel_loop3A_161, %parallel_loop3A_183 : vector<16xi32>
          %parallel_loop3A_185 = arith.mulf %parallel_loop3A_181, %parallel_loop3A_152 : vector<16xf32>
          tpu.vector_store_idx %arg9[%parallel_loop3A_184], %parallel_loop3A_185 : memref<5120xf32, #tpu.memory_space<vmem>>[vector<16xi32>], vector<16xf32>,
          %parallel_loop3A_186 = arith.constant 3 : i32
          %parallel_loop3A_187 = vector.broadcast %parallel_loop3A_186 : i32 to vector<16xi32>
          %parallel_loop3A_188 = arith.addi %parallel_loop3A_161, %parallel_loop3A_187 : vector<16xi32>
          %parallel_loop3A_189 = tpu.vector_load_idx %arg7[%parallel_loop3A_188] : memref<5120xf32, #tpu.memory_space<vmem>>[vector<16xi32>], vector<16xf32>,
          %parallel_loop3A_190 = arith.constant 3 : i32
          %parallel_loop3A_191 = vector.broadcast %parallel_loop3A_190 : i32 to vector<16xi32>
          %parallel_loop3A_192 = arith.addi %parallel_loop3A_161, %parallel_loop3A_191 : vector<16xi32>
          %parallel_loop3A_193 = arith.mulf %parallel_loop3A_189, %parallel_loop3A_152 : vector<16xf32>
          tpu.vector_store_idx %arg9[%parallel_loop3A_192], %parallel_loop3A_193 : memref<5120xf32, #tpu.memory_space<vmem>>[vector<16xi32>], vector<16xf32>,
        } {sc.loop_unroll_factor = 5 : i64, sc.parallel_access}
        %parallel_loop3A_134 = arith.constant 0 : i32
        %parallel_loop3A_135 = arith.constant 50 : i32
        %parallel_loop3A_136 = arith.constant 1 : i32
        scf.for %parallel_loop3A_138 = %parallel_loop3A_134 to %parallel_loop3A_135 step %parallel_loop3A_136  : i32 {
          %parallel_loop3A_139 = vector.broadcast %parallel_loop3A_138 : i32 to vector<16xi32>
          %parallel_loop3A_140 = arith.addi %add3A_103, %parallel_loop3A_139 : vector<16xi32>
          %parallel_loop3A_141 = tpu.vector_load_idx %arg8[%parallel_loop3A_140] : memref<12800xi32, #tpu.memory_space<vmem>>[vector<16xi32>], vector<16xi32>,
          %parallel_loop3A_142 = arith.constant 50 : i32
          %parallel_loop3A_143 = arith.addi %parallel_loop3A_142, %parallel_loop3A_138 : i32
          %parallel_loop3A_144 = vector.broadcast %parallel_loop3A_143 : i32 to vector<16xi32>
          %parallel_loop3A_145 = arith.addi %add3A_103, %parallel_loop3A_144 : vector<16xi32>
          %parallel_loop3A_146 = tpu.vector_load_idx %arg8[%parallel_loop3A_145] : memref<12800xi32, #tpu.memory_space<vmem>>[vector<16xi32>], vector<16xi32>,
          %parallel_loop3A_147 = arith.addi %parallel_loop3A_141, %mul3A_3 : vector<16xi32>
          %parallel_loop3A_148 = tpu.vector_load_idx %arg12[%parallel_loop3A_147] : memref<160xf32, #tpu.memory_space<vmem>>[vector<16xi32>], vector<16xf32>,
          %parallel_loop3A_149 = arith.addi %parallel_loop3A_146, %mul3A_3 : vector<16xi32>
          %parallel_loop3A_150 = tpu.vector_load_idx %arg12[%parallel_loop3A_149] : memref<160xf32, #tpu.memory_space<vmem>>[vector<16xi32>], vector<16xf32>,
          %parallel_loop3A_151 = arith.mulf %parallel_loop3A_148, %parallel_loop3A_150 : vector<16xf32>
          %parallel_loop3A_152 = arith.constant 4 : i32
          %parallel_loop3A_153 = vector.broadcast %parallel_loop3A_152 : i32 to vector<16xi32>
          %parallel_loop3A_154 = arith.muli %parallel_loop3A_141, %parallel_loop3A_153 : vector<16xi32>
          %parallel_loop3A_155 = arith.addi %add3A_108, %parallel_loop3A_154 : vector<16xi32>
          %parallel_loop3A_156 = arith.constant 4 : i32
          %parallel_loop3A_157 = vector.broadcast %parallel_loop3A_156 : i32 to vector<16xi32>
          %parallel_loop3A_158 = arith.muli %parallel_loop3A_146, %parallel_loop3A_157 : vector<16xi32>
          %parallel_loop3A_159 = arith.addi %add3A_108, %parallel_loop3A_158 : vector<16xi32>
          %parallel_loop3A_160 = arith.constant 0 : i32
          %parallel_loop3A_161 = vector.broadcast %parallel_loop3A_160 : i32 to vector<16xi32>
          %parallel_loop3A_162 = arith.addi %parallel_loop3A_155, %parallel_loop3A_161 : vector<16xi32>
          %parallel_loop3A_163 = tpu.vector_load_idx %arg7[%parallel_loop3A_162] : memref<5120xf32, #tpu.memory_space<vmem>>[vector<16xi32>], vector<16xf32>,
          %parallel_loop3A_164 = arith.constant 0 : i32
          %parallel_loop3A_165 = vector.broadcast %parallel_loop3A_164 : i32 to vector<16xi32>
          %parallel_loop3A_166 = arith.addi %parallel_loop3A_159, %parallel_loop3A_165 : vector<16xi32>
          %parallel_loop3A_167 = arith.mulf %parallel_loop3A_163, %parallel_loop3A_151 : vector<16xf32>
          tpu.vector_store_idx %arg9[%parallel_loop3A_166], %parallel_loop3A_167 {add = true} : memref<5120xf32, #tpu.memory_space<vmem>>[vector<16xi32>], vector<16xf32>,
          %parallel_loop3A_168 = arith.constant 1 : i32
          %parallel_loop3A_169 = vector.broadcast %parallel_loop3A_168 : i32 to vector<16xi32>
          %parallel_loop3A_170 = arith.addi %parallel_loop3A_155, %parallel_loop3A_169 : vector<16xi32>
          %parallel_loop3A_171 = tpu.vector_load_idx %arg7[%parallel_loop3A_170] : memref<5120xf32, #tpu.memory_space<vmem>>[vector<16xi32>], vector<16xf32>,
          %parallel_loop3A_172 = arith.constant 1 : i32
          %parallel_loop3A_173 = vector.broadcast %parallel_loop3A_172 : i32 to vector<16xi32>
          %parallel_loop3A_174 = arith.addi %parallel_loop3A_159, %parallel_loop3A_173 : vector<16xi32>
          %parallel_loop3A_175 = arith.mulf %parallel_loop3A_171, %parallel_loop3A_151 : vector<16xf32>
          tpu.vector_store_idx %arg9[%parallel_loop3A_174], %parallel_loop3A_175 {add = true} : memref<5120xf32, #tpu.memory_space<vmem>>[vector<16xi32>], vector<16xf32>,
          %parallel_loop3A_176 = arith.constant 2 : i32
          %parallel_loop3A_177 = vector.broadcast %parallel_loop3A_176 : i32 to vector<16xi32>
          %parallel_loop3A_178 = arith.addi %parallel_loop3A_155, %parallel_loop3A_177 : vector<16xi32>
          %parallel_loop3A_179 = tpu.vector_load_idx %arg7[%parallel_loop3A_178] : memref<5120xf32, #tpu.memory_space<vmem>>[vector<16xi32>], vector<16xf32>,
          %parallel_loop3A_180 = arith.constant 2 : i32
          %parallel_loop3A_181 = vector.broadcast %parallel_loop3A_180 : i32 to vector<16xi32>
          %parallel_loop3A_182 = arith.addi %parallel_loop3A_159, %parallel_loop3A_181 : vector<16xi32>
          %parallel_loop3A_183 = arith.mulf %parallel_loop3A_179, %parallel_loop3A_151 : vector<16xf32>
          tpu.vector_store_idx %arg9[%parallel_loop3A_182], %parallel_loop3A_183 {add = true} : memref<5120xf32, #tpu.memory_space<vmem>>[vector<16xi32>], vector<16xf32>,
          %parallel_loop3A_184 = arith.constant 3 : i32
          %parallel_loop3A_185 = vector.broadcast %parallel_loop3A_184 : i32 to vector<16xi32>
          %parallel_loop3A_186 = arith.addi %parallel_loop3A_155, %parallel_loop3A_185 : vector<16xi32>
          %parallel_loop3A_187 = tpu.vector_load_idx %arg7[%parallel_loop3A_186] : memref<5120xf32, #tpu.memory_space<vmem>>[vector<16xi32>], vector<16xf32>,
          %parallel_loop3A_188 = arith.constant 3 : i32
          %parallel_loop3A_189 = vector.broadcast %parallel_loop3A_188 : i32 to vector<16xi32>
          %parallel_loop3A_190 = arith.addi %parallel_loop3A_159, %parallel_loop3A_189 : vector<16xi32>
          %parallel_loop3A_191 = arith.mulf %parallel_loop3A_187, %parallel_loop3A_151 : vector<16xf32>
          tpu.vector_store_idx %arg9[%parallel_loop3A_190], %parallel_loop3A_191 {add = true} : memref<5120xf32, #tpu.memory_space<vmem>>[vector<16xi32>], vector<16xf32>,
        } {sc.loop_unroll_factor = 5 : i64, sc.parallel_access}
        %scan3A_137 = arith.constant 0 : i32
        scf.yield %scan3A_137 : i32
      }
      %scan3A_87 = arith.constant 8 : i32
      %parallel_loop3A = arith.constant 0 : i32
      %parallel_loop3A_88 = arith.constant 64 : i32
      %parallel_loop3A_89 = arith.constant 1 : i32
      scf.for %parallel_loop3A_93 = %parallel_loop3A to %parallel_loop3A_88 step %parallel_loop3A_89  : i32 {
        %parallel_loop3A_94 = arith.constant 80 : i32
        %parallel_loop3A_95 = arith.muli %parallel_loop3A_93, %parallel_loop3A_94 : i32
        %parallel_loop3A_96 = arith.constant 256 : i32
        %parallel_loop3A_97 = arith.muli %parallel_loop3A_93, %parallel_loop3A_96 : i32
        %parallel_loop3A_98 = arith.constant 0 : i32
        %parallel_loop3A_99 = arith.addi %parallel_loop3A_95, %parallel_loop3A_98 : i32
        %parallel_loop3A_100 = arith.index_cast %parallel_loop3A_99 : i32 to index
        %parallel_loop3A_101 = tpu.vector_load %arg9[%parallel_loop3A_100] {strides = array<i32>} : memref<5120xf32, #tpu.memory_space<vmem>>, vector<16xf32>,
        %parallel_loop3A_102 = vector.broadcast %parallel_loop3A_97 : i32 to vector<16xi32>
        %parallel_loop3A_103 = arith.addi %parallel_loop3A_102, %add3A_15 : vector<16xi32>
        tpu.vector_store_idx %arg10[%parallel_loop3A_103], %parallel_loop3A_101 : memref<16384xf32, #tpu.memory_space<vmem>>[vector<16xi32>], vector<16xf32>,
        %parallel_loop3A_104 = arith.constant 16 : i32
        %parallel_loop3A_105 = arith.addi %parallel_loop3A_95, %parallel_loop3A_104 : i32
        %parallel_loop3A_106 = arith.index_cast %parallel_loop3A_105 : i32 to index
        %parallel_loop3A_107 = tpu.vector_load %arg9[%parallel_loop3A_106] {strides = array<i32>} : memref<5120xf32, #tpu.memory_space<vmem>>, vector<16xf32>,
        %parallel_loop3A_108 = vector.broadcast %parallel_loop3A_97 : i32 to vector<16xi32>
        %parallel_loop3A_109 = arith.addi %parallel_loop3A_108, %add3A_27 : vector<16xi32>
        tpu.vector_store_idx %arg10[%parallel_loop3A_109], %parallel_loop3A_107 : memref<16384xf32, #tpu.memory_space<vmem>>[vector<16xi32>], vector<16xf32>,
        %parallel_loop3A_110 = arith.constant 32 : i32
        %parallel_loop3A_111 = arith.addi %parallel_loop3A_95, %parallel_loop3A_110 : i32
        %parallel_loop3A_112 = arith.index_cast %parallel_loop3A_111 : i32 to index
        %parallel_loop3A_113 = tpu.vector_load %arg9[%parallel_loop3A_112] {strides = array<i32>} : memref<5120xf32, #tpu.memory_space<vmem>>, vector<16xf32>,
        %parallel_loop3A_114 = vector.broadcast %parallel_loop3A_97 : i32 to vector<16xi32>
        %parallel_loop3A_115 = arith.addi %parallel_loop3A_114, %add3A_39 : vector<16xi32>
        tpu.vector_store_idx %arg10[%parallel_loop3A_115], %parallel_loop3A_113 : memref<16384xf32, #tpu.memory_space<vmem>>[vector<16xi32>], vector<16xf32>,
        %parallel_loop3A_116 = arith.constant 48 : i32
        %parallel_loop3A_117 = arith.addi %parallel_loop3A_95, %parallel_loop3A_116 : i32
        %parallel_loop3A_118 = arith.index_cast %parallel_loop3A_117 : i32 to index
        %parallel_loop3A_119 = tpu.vector_load %arg9[%parallel_loop3A_118] {strides = array<i32>} : memref<5120xf32, #tpu.memory_space<vmem>>, vector<16xf32>,
        %parallel_loop3A_120 = vector.broadcast %parallel_loop3A_97 : i32 to vector<16xi32>
        %parallel_loop3A_121 = arith.addi %parallel_loop3A_120, %add3A_51 : vector<16xi32>
        tpu.vector_store_idx %arg10[%parallel_loop3A_121], %parallel_loop3A_119 : memref<16384xf32, #tpu.memory_space<vmem>>[vector<16xi32>], vector<16xf32>,
        %parallel_loop3A_122 = arith.constant 64 : i32
        %parallel_loop3A_123 = arith.addi %parallel_loop3A_95, %parallel_loop3A_122 : i32
        %parallel_loop3A_124 = arith.index_cast %parallel_loop3A_123 : i32 to index
        %parallel_loop3A_125 = tpu.vector_load %arg9[%parallel_loop3A_124] {strides = array<i32>} : memref<5120xf32, #tpu.memory_space<vmem>>, vector<16xf32>,
        %parallel_loop3A_126 = vector.broadcast %parallel_loop3A_97 : i32 to vector<16xi32>
        %parallel_loop3A_127 = arith.addi %parallel_loop3A_126, %add3A_63 : vector<16xi32>
        tpu.vector_store_idx %arg10[%parallel_loop3A_127], %parallel_loop3A_125 : memref<16384xf32, #tpu.memory_space<vmem>>[vector<16xi32>], vector<16xf32>,
      } {sc.loop_unroll_factor = 4 : i64, sc.parallel_access}
      %mul3A_90 = arith.constant 128 : i32
      %mul3A_91 = arith.muli %add3A_76, %mul3A_90 : i32
      "tpu.region"() ({
        %run_scoped3A = tpu.sem_alloc : memref<!tpu.dma_semaphore, #tpu.memory_space<semaphore_mem>>
        %dma_start3A = tpu.memref_slice %arg5[%mul3A_91] : memref<2097152xf32, #tpu.memory_space<hbm>> -> memref<16384xf32, #tpu.memory_space<hbm>>
        %dma_start3A_93 = tpu.memref_slice %arg5[%mul3A_91] : memref<2097152xf32, #tpu.memory_space<hbm>> -> memref<16384xf32, #tpu.memory_space<hbm>>
        tpu.enqueue_dma source(%arg10 : memref<16384xf32, #tpu.memory_space<vmem>>) target(%dma_start3A_93 : memref<16384xf32, #tpu.memory_space<hbm>>) target_semaphore(%run_scoped3A : memref<!tpu.dma_semaphore, #tpu.memory_space<semaphore_mem>>)
        %dma_wait3A = tpu.memref_slice %arg5[%mul3A_91] : memref<2097152xf32, #tpu.memory_space<hbm>> -> memref<16384xf32, #tpu.memory_space<hbm>>
        %dma_wait3A_94 = tpu.memref_slice %arg5[%mul3A_91] : memref<2097152xf32, #tpu.memory_space<hbm>> -> memref<16384xf32, #tpu.memory_space<hbm>>
        tpu.wait_dma2 semaphore(%run_scoped3A : memref<!tpu.dma_semaphore, #tpu.memory_space<semaphore_mem>>) src(%arg10 : memref<16384xf32, #tpu.memory_space<vmem>>) dst(%dma_wait3A_94 : memref<16384xf32, #tpu.memory_space<hbm>>)
        tpu.yield
      }) : () -> ()
      %scan3A_92 = arith.constant 0 : i32
      scf.yield %scan3A_92 : i32
    }
    %scan3A_69 = arith.constant 4 : i32
    return
  }
}

module attributes {stable_mosaic.version = 14 : i64} {
  func.func @_tc_body(%arg0: i32, %arg1: memref<2048x128xf32, #tpu.memory_space<vmem>>, %arg2: memref<40x160xf32, #tpu.memory_space<vmem>>, %arg3: memref<1x160xf32, #tpu.memory_space<vmem>>, %arg4: memref<160x5xf32, #tpu.memory_space<vmem>>, %arg5: memref<1x5xf32, #tpu.memory_space<vmem>>, %arg6: memref<2048x5xf32, #tpu.memory_space<vmem>>) attributes {dimension_semantics = [#tpu.dimension_semantics<arbitrary>], iteration_bounds = array<i64: 8>, scalar_prefetch = 0 : i64, scratch_operands = 0 : i64, tpu.core_type = #tpu.core_type<tc>, window_params = [{transform_indices = @transform_0, window_bounds = array<i64: 2048, 128>}, {pipeline_mode = #tpu.pipeline_mode<synchronous>, transform_indices = @transform_1, window_bounds = array<i64: 40, 160>}, {pipeline_mode = #tpu.pipeline_mode<synchronous>, transform_indices = @transform_2, window_bounds = array<i64: 1, 160>}, {pipeline_mode = #tpu.pipeline_mode<synchronous>, transform_indices = @transform_3, window_bounds = array<i64: 160, 5>}, {pipeline_mode = #tpu.pipeline_mode<synchronous>, transform_indices = @transform_4, window_bounds = array<i64: 1, 5>}, {transform_indices = @transform_5, window_bounds = array<i64: 2048, 5>}]} {
    %get3A = arith.constant 0 : index
    %get3A_0 = arith.constant 0 : index
    %get3A_1 = vector.load %arg1[%get3A, %get3A_0] : memref<2048x128xf32, #tpu.memory_space<vmem>>, vector<2048x40xf32>
    %get3A_2 = arith.constant 0 : index
    %get3A_3 = arith.constant 0 : index
    %get3A_4 = vector.load %arg2[%get3A_2, %get3A_3] : memref<40x160xf32, #tpu.memory_space<vmem>>, vector<40x160xf32>
    %dot_general3A = arith.constant dense<0.000000e+00> : vector<2048x160xf32>
    %dot_general3A_5 = tpu.matmul %get3A_1, %get3A_4, %dot_general3A {dimension_numbers = #tpu.dot_dimension_numbers<[1], [0], [0], [1], [0, 0, 1, 1], [], []>, transpose_lhs_hint = false} : vector<2048x40xf32>, vector<40x160xf32>, vector<2048x160xf32> -> vector<2048x160xf32>
    %get3A_6 = arith.constant 0 : index
    %get3A_7 = arith.constant 0 : index
    %get3A_8 = vector.load %arg3[%get3A_6, %get3A_7] : memref<1x160xf32, #tpu.memory_space<vmem>>, vector<1x160xf32>
    %add3A = vector.broadcast %get3A_8 : vector<1x160xf32> to vector<2048x160xf32>
    %add3A_9 = arith.addf %dot_general3A_5, %add3A : vector<2048x160xf32>
    %max3A = arith.constant 0.000000e+00 : f32
    %max3A_10 = vector.broadcast %max3A : f32 to vector<2048x160xf32>
    %max3A_11 = arith.maximumf %add3A_9, %max3A_10 : vector<2048x160xf32>
    %get3A_12 = arith.constant 0 : index
    %get3A_13 = arith.constant 0 : index
    %get3A_14 = vector.load %arg4[%get3A_12, %get3A_13] : memref<160x5xf32, #tpu.memory_space<vmem>>, vector<160x5xf32>
    %dot_general3A_15 = arith.constant dense<0.000000e+00> : vector<2048x5xf32>
    %dot_general3A_16 = tpu.matmul %max3A_11, %get3A_14, %dot_general3A_15 {dimension_numbers = #tpu.dot_dimension_numbers<[1], [0], [0], [1], [0, 0, 1, 1], [], []>, transpose_lhs_hint = false} : vector<2048x160xf32>, vector<160x5xf32>, vector<2048x5xf32> -> vector<2048x5xf32>
    %get3A_17 = arith.constant 0 : index
    %get3A_18 = arith.constant 0 : index
    %get3A_19 = vector.load %arg5[%get3A_17, %get3A_18] : memref<1x5xf32, #tpu.memory_space<vmem>>, vector<1x5xf32>
    %add3A_20 = vector.broadcast %get3A_19 : vector<1x5xf32> to vector<2048x5xf32>
    %add3A_21 = arith.addf %dot_general3A_16, %add3A_20 : vector<2048x5xf32>
    %reduce_max3A = arith.constant dense<0xFF800000> : vector<2048xf32>
    %reduce_max3A_22 = vector.multi_reduction <maximumf>, %add3A_21, %reduce_max3A [1] : vector<2048x5xf32> to vector<2048xf32>
    %broadcast_in_dim3A = vector.shape_cast %reduce_max3A_22 : vector<2048xf32> to vector<2048x1xf32>
    %sub3A = vector.broadcast %broadcast_in_dim3A : vector<2048x1xf32> to vector<2048x5xf32>
    %sub3A_23 = arith.subf %add3A_21, %sub3A : vector<2048x5xf32>
    %exp3A = math.exp %sub3A_23 : vector<2048x5xf32>
    %reduce_sum3A = arith.constant dense<0.000000e+00> : vector<2048xf32>
    %reduce_sum3A_24 = vector.multi_reduction <add>, %exp3A, %reduce_sum3A [1] : vector<2048x5xf32> to vector<2048xf32>
    %broadcast_in_dim3A_25 = vector.shape_cast %reduce_sum3A_24 : vector<2048xf32> to vector<2048x1xf32>
    %sub3A_26 = vector.broadcast %broadcast_in_dim3A : vector<2048x1xf32> to vector<2048x5xf32>
    %sub3A_27 = arith.subf %add3A_21, %sub3A_26 : vector<2048x5xf32>
    %log3A = math.log %broadcast_in_dim3A_25 : vector<2048x1xf32>
    %sub3A_28 = vector.broadcast %log3A : vector<2048x1xf32> to vector<2048x5xf32>
    %sub3A_29 = arith.subf %sub3A_27, %sub3A_28 : vector<2048x5xf32>
    %swap3A = arith.constant 0 : index
    %swap3A_30 = arith.constant 0 : index
    %swap3A_31 = vector.load %arg6[%swap3A, %swap3A_30] : memref<2048x5xf32, #tpu.memory_space<vmem>>, vector<2048x5xf32>
    tpu.vector_store %arg6[%swap3A, %swap3A_30], %sub3A_29 {strides = array<i32>} : memref<2048x5xf32, #tpu.memory_space<vmem>>, vector<2048x5xf32>,
    return
  }
  func.func @transform_0(%arg0: i32) -> (i32, i32) {
    %c0_i32 = arith.constant 0 : i32
    %c0_i32_0 = arith.constant 0 : i32
    return %arg0, %c0_i32 : i32, i32
  }
  func.func @transform_1(%arg0: i32) -> (i32, i32) {
    %c0_i32 = arith.constant 0 : i32
    %c0_i32_0 = arith.constant 0 : i32
    %c0_i32_1 = arith.constant 0 : i32
    return %c0_i32, %c0_i32_0 : i32, i32
  }
  func.func @transform_2(%arg0: i32) -> (i32, i32) {
    %c0_i32 = arith.constant 0 : i32
    %c0_i32_0 = arith.constant 0 : i32
    %c0_i32_1 = arith.constant 0 : i32
    return %c0_i32, %c0_i32_0 : i32, i32
  }
  func.func @transform_3(%arg0: i32) -> (i32, i32) {
    %c0_i32 = arith.constant 0 : i32
    %c0_i32_0 = arith.constant 0 : i32
    %c0_i32_1 = arith.constant 0 : i32
    return %c0_i32, %c0_i32_0 : i32, i32
  }
  func.func @transform_4(%arg0: i32) -> (i32, i32) {
    %c0_i32 = arith.constant 0 : i32
    %c0_i32_0 = arith.constant 0 : i32
    %c0_i32_1 = arith.constant 0 : i32
    return %c0_i32, %c0_i32_0 : i32, i32
  }
  func.func @transform_5(%arg0: i32) -> (i32, i32) {
    %c0_i32 = arith.constant 0 : i32
    %c0_i32_0 = arith.constant 0 : i32
    return %arg0, %c0_i32 : i32, i32
  }
}

</mosaic_0001>

<sc_bundles>
// kernel: kernel.4.cloned.1.call-start
scs
__scs_entry_jumppad:
0x0: {  	(pc) =	sbr.rel $0x88, $3  }
0x1: {  	(tag) =	ssettag $0x0;
	lr =	simm.s32 $0x1  }
0x2: {  	[smem:$0x3F9B] =	sst lr;
	_ =	strace $0xD0000000  }
0x3: {  	_ = 	snop  }
0x4: {  	_ = 	snop  }
0x5: {  	_ = 	snop  }
0x6: {  	_ = 	snop  }
0x7: {  	_ = 	snop  }
__scs_overlays_trampoline_lowered:
0x8: {  	[smem:$0x3FAA] =	sst s0  }
0x9: {  	[smem:$0x3FAB] =	sst s1  }
0xa: {  	[smem:$0x3FAC] =	sst s2  }
0xb: {  	[smem:$0x3FAD] =	sst s3  }
0xc: {  	[smem:$0x3FAE] =	sst s4  }
0xd: {  	[smem:$0x3FAF] =	sst s5  }
0xe: {  	[smem:$0x3FB0] =	sst s6  }
0xf: {  	[smem:$0x3FB1] =	sst s7  }
0x10: {  	[smem:$0x3FB2] =	sst s8  }
0x11: {  	[smem:$0x3FB3] =	sst s9;
	s0 =	simm.s32 @!p0 $0x0  }
0x12: {  	s1 =	sld [smem:$0x3F99];
	s0 =	simm.s32 @p0 $0x1  }
0x13: {  	[smem:$0x3FB4] =	sst s0;
	s0 =	simm.s32 @!p1 $0x0  }
0x14: {  	s2 =	sld [smem:$0x3F98];
	s0 =	simm.s32 @p1 $0x1  }
0x15: {  	[smem:$0x3FB5] =	sst s0;
	s0 =	simm.s32 @!p2 $0x0  }
0x16: {  	s3 =	sld [smem:$0x3FDB];
	s0 =	simm.s32 @p2 $0x1  }
0x17: {  	s4 =	simm.s32 $0x1BF5;
	[smem:$0x3FB7] =	sst s0  }
0x18: {  	s0 =	sld [smem:$0x3F9A];
	_ =	swait.ge [sflag:s4], $0x0  }
0x19: {  	s7 =	sld [smem:$0x3F9B]  }
0x1a: {  	s8 =	sadd.s32 $0xFFFFE003, lr  }
0x1b: {  	s9 =	sadd.s32 $0xFFFFFEF7, lr;
	s5 =	simm.s32 $0xFFFFFFFF;
	p2 =	slt.u32 s8, $0xFFFFF086  }
0x1c: {  	p1 =	slt.u32 s9, $0xF7A;
	s5 =	simm.s32 @!p2 $0x0  }
0x1d: {  	s5 =	simm.s32 @p1 $0x1;
	p0 =	seq.s32 s7, s2  }
0x1e: {  	s7 =	smul.u32 @!p0 $0xF7A, s2;
	p2 =	seq.s32 @!p0 s5, $0x0  }
0x1f: {  	s9 =	smul.u32 $0xF7A, s1;
	s8 =	simm.s32 @!p0 $0x1BF5;
	p2 =	por !p2, p0  }
0x20: {  	[sflag:s8] =	ssyncset.s32 @!p0 $0xFFFFF086;
	s6 =	sadd.s32 @!p0 s3, s7;
	s7 =	simm.s32 @!p0 $0x108  }
0x21: {  	s3 =	sadd.s32 s3, s9;
	s6 =	sadd.s32 @!p0 $0x88, s6;
	s7 =	simm.s32 @p2 $0x1082  }
0x22: {  	[simem:s7], [sflag:s8] =	dma.local @!p0 [hbm:s6], $0xF7A  }
0x23: {  	s9 =	sor.u32 $0xD0000000, s2;
	s6 =	simm.s32 $0x108;
	_ =	swait.ge @!p0 [sflag:s8], $0x0  }
0x24: {  	s3 =	sadd.s32 $0x88, s3;
	s6 =	simm.s32 @!p1 $0x1082;
	[sflag:s4] =	ssyncset.s32 $0xFFFFF086  }
0x25: {  	[simem:s6], [sflag:s4] =	dma.local [hbm:s3], $0xF7A  }
0x26: {  	[smem:$0x3F9B] =	sst s1;
	(tag) =	ssettag s2;
	_ =	strace s9  }
0x27: {  	s1 =	sld [smem:$0x3FAB]  }
0x28: {  	s2 =	sld [smem:$0x3FAC]  }
0x29: {  	s4 =	sld [smem:$0x3FAE]  }
0x2a: {  	p0 =	seq.s32 s5, $0x0;
	s5 =	sld [smem:$0x3FAF]  }
0x2b: {  	s6 =	sld [smem:$0x3FB0]  }
0x2c: {  	s7 =	sld [smem:$0x3FB1]  }
0x2d: {  	s3 =	simm.s32 $0x108;
	s8 =	sld [smem:$0x3FB2]  }
0x2e: {  	s3 =	simm.s32 @!p0 $0x1082;
	s9 =	sld [smem:$0x3FB3]  }
0x2f: {  	lr =	sadd.s32 s0, s3;
	s0 =	sld [smem:$0x3FAA]  }
0x30: {  	s3 =	sld [smem:$0x3FAD]  }
0x31: {  	[smem:$0x3FB6] =	sst s10  }
0x32: {  	s10 =	sld [smem:$0x3FB4];
	_ =	sdelay $0x3  }
0x33: {  	p0 =	seq.s32 s10, $0x1;
	s10 =	sld [smem:$0x3FB6];
	_ =	sdelay $0x3  }
0x34: {  	[smem:$0x3FB6] =	sst s10  }
0x35: {  	s10 =	sld [smem:$0x3FB5];
	_ =	sdelay $0x3  }
0x36: {  	p1 =	seq.s32 s10, $0x1;
	s10 =	sld [smem:$0x3FB6];
	_ =	sdelay $0x3  }
0x37: {  	[smem:$0x3FB6] =	sst s10  }
0x38: {  	s10 =	sld [smem:$0x3FB7]  }
0x39: {  	_ = 	snop;
	(pc) =	sbr.ind lr, $3  }
0x3a: {  	_ = 	snop  }
0x3b: {  	_ = 	snop  }
0x3c: {  	p2 =	seq.s32 s10, $0x1;
	s10 =	sld [smem:$0x3FB6]  }
0x3d: {  	_ =	shalt  }
0x3e: {  	_ =	shalt  }
0x3f: {  	_ =	shalt  }
0x40: {  	_ =	shalt  }
0x41: {  	_ =	shalt  }
0x42: {  	_ =	shalt  }
0x43: {  	_ =	shalt  }
0x44: {  	_ =	shalt  }
0x45: {  	_ =	shalt  }
0x46: {  	_ =	shalt  }
0x47: {  	_ =	shalt  }
0x48: {  	_ =	shalt  }
0x49: {  	_ =	shalt  }
0x4a: {  	_ =	shalt  }
0x4b: {  	_ =	shalt  }
0x4c: {  	_ =	shalt  }
0x4d: {  	_ =	shalt  }
0x4e: {  	_ =	shalt  }
0x4f: {  	_ =	shalt  }
0x50: {  	_ =	shalt  }
0x51: {  	_ =	shalt  }
0x52: {  	_ =	shalt  }
0x53: {  	_ =	shalt  }
0x54: {  	_ =	shalt  }
0x55: {  	_ =	shalt  }
0x56: {  	_ =	shalt  }
0x57: {  	_ =	shalt  }
0x58: {  	_ =	shalt  }
0x59: {  	_ =	shalt  }
0x5a: {  	_ =	shalt  }
0x5b: {  	_ =	shalt  }
0x5c: {  	_ =	shalt  }
0x5d: {  	_ =	shalt  }
0x5e: {  	_ =	shalt  }
0x5f: {  	_ =	shalt  }
0x60: {  	_ =	shalt  }
0x61: {  	_ =	shalt  }
0x62: {  	_ =	shalt  }
0x63: {  	_ =	shalt  }
0x64: {  	_ =	shalt  }
0x65: {  	_ =	shalt  }
0x66: {  	_ =	shalt  }
0x67: {  	_ =	shalt  }
0x68: {  	_ =	shalt  }
0x69: {  	_ =	shalt  }
0x6a: {  	_ =	shalt  }
0x6b: {  	_ =	shalt  }
0x6c: {  	_ =	shalt  }
0x6d: {  	_ =	shalt  }
0x6e: {  	_ =	shalt  }
0x6f: {  	_ =	shalt  }
0x70: {  	_ =	shalt  }
0x71: {  	_ =	shalt  }
0x72: {  	_ =	shalt  }
0x73: {  	_ =	shalt  }
0x74: {  	_ =	shalt  }
0x75: {  	_ =	shalt  }
0x76: {  	_ =	shalt  }
0x77: {  	_ =	shalt  }
0x78: {  	_ =	shalt  }
0x79: {  	_ =	shalt  }
0x7a: {  	_ =	shalt  }
0x7b: {  	_ =	shalt  }
0x7c: {  	_ =	shalt  }
0x7d: {  	_ =	shalt  }
0x7e: {  	_ =	shalt  }
0x7f: {  	_ =	shalt  }
0x80: {  	_ =	shalt  }
0x81: {  	_ =	shalt  }
0x82: {  	_ =	shalt  }
0x83: {  	_ =	shalt  }
0x84: {  	_ =	shalt  }
0x85: {  	_ =	shalt  }
0x86: {  	_ =	shalt  }
0x87: {  	_ =	shalt  }
.Lfunc_end0:
.L_simem_size_0:
called_computation_lowered:
.L_overlay_start_0:
0x88: {  	s2 =	sld [smem:$0x3FD9]  }
0x89: {  	s3 =	sld [smem:$0x3FFE];
	_ =	sdelay $0x1  }
0x8a: {  	s1 =	srdreg.scid  }
0x8b: {  	s0 =	sand.u32 $0x1, s1  }
0x8c: {  	s17 =	sshll.u32 s0, $0xA;
	s2 =	sadd.s32 s3, s2  }
0x8d: {  	s2 =	sadd.s32 s2, s17  }
0x8e: {  	[smem:$0x3FC2] =	sst s2  }
0x8f: {  	_ = 	snop  }
0x90: {  	s2 =	sld [smem:$0x3FD0];
	(tm) =	ssettm $0x1  }
0x91: {  	s18 =	sld [smem:$0x3FFB];
	_ =	sdelay $0x3  }
0x92: {  	_ =	strace s18  }
0x93: {  	s3 =	sld [smem:$0x3FFC];
	_ =	sdelay $0x3  }
0x94: {  	_ =	strace s3  }
0x95: {  	s3 =	sld [smem:$0x3FFD];
	_ =	sdelay $0x3  }
0x96: {  	_ =	strace s3  }
0x97: {  	_ =	strace $0x8FFFFFFF  }
0x98: {  	s19 =	sld [smem:$0x3FDB];
	_ =	sdelay $0x1  }
0x99: {  	s4 =	simm.s32 $_scs_section_size  }
0x9a: {  	s5 =	simm.s32 $_size__tile_overlayer_lowered;
	s6 =	simm.s32 $_tile_overlayer_lowered  }
0x9b: {  	s22 =	simm.s32 $0x1BFF;
	s21 =	sshll.u32 s6, $0x1;
	s3 =	sadd.s32 s4, s19  }
0x9c: {  	s7 =	simm.s32 $0x0;
	s20 =	sshll.u32 s5, $0x1;
	s5 =	sadd.s32 s21, s3  }
0x9d: {  	[timem:s7], [sflag:s22] =	dma.local [hbm:s5], s20  }
0x9e: {  	_ =	swait.ge [sflag:s22], s20  }
0x9f: {  	s4 =	ssub.s32 $0x0, s20;
	[sflag:s22] =	ssyncset.done $0x0  }
0xa0: {  	[sflag:s22] =	ssyncadd.s32 s4;
	_ =	sdelay $0x1  }
0xa1: {  	s23 =	simm.s32 $0x1B8B  }
0xa2: {  	_ =	swait.ge [sflag:s23], $0x1  }
0xa3: {  	[sflag:s23] =	ssyncset.done $0x0  }
0xa4: {  	s25 =	simm.s32 $0x1B8E;
	s24 =	sld [smem:$0x3FFE];
	[sflag:s23] =	ssyncadd.s32 $0xFFFFFFFF  }
0xa5: {  	s26 =	simm.s32 $execute0_lowered;
	[smem:$0x3FD2] =	sst s25  }
0xa6: {  	s5 =	sshll.u32 s26, $0x1;
	_ =	strace $0x80000046;
	[dreg:$0x1] =	wrdreg $0xFFFFFFFF  }
0xa7: {  	s28 =	simm.s32 $_size_execute0_lowered;
	s3 =	sadd.s32 s3, s5;
	[dreg:$0x0] =	wrdreg $0x0  }
0xa8: {  	s5 =	sshll.u32 s28, $0x1;
	[dreg:$0x2] =	wrdreg s3  }
0xa9: {  	[dreg:$0x3] =	wrdreg s5  }
0xaa: {  	[dreg:$0x4] =	wrdreg $0xC0  }
0xab: {  	_ =	task [dreg:s7], $0x5FFFF  }
0xac: {  	[dreg:$0x1] =	wrdreg $0xFFFFFFFF  }
0xad: {  	[dreg:$0x0] =	wrdreg $0x60  }
0xae: {  	[dreg:$0x2] =	wrdreg s24  }
0xaf: {  	[dreg:$0x3] =	wrdreg s2  }
0xb0: {  	[dreg:$0x4] =	wrdreg $0x9  }
0xb1: {  	_ =	task.clear_ibuf [dreg:s7], $0x5FFFF;
	_ =	strace $0x90000046  }
0xb2: {  	s29 =	simm.s32 $0x9;
	_ =	strace $0x80000048  }
0xb3: {  	_ =	swait.ge [sflag:s29], $0x1  }
0xb4: {  	[sflag:s29] =	ssyncadd.s32 $0xFFFFFFFF  }
0xb5: {  	_ =	strace $0x90000048  }
0xb6: {  	_ =	sfence  }
0xb7: {  	s30 =	sld [smem:$0x0];
	_ =	sdelay $0x2  }
0xb8: {  	s31 =	sshll.u32 s1, $0xD;
	s1 =	sshrl.u32 s1, $0x2  }
0xb9: {  	s3 =	sand.u32 $0x4000, s31;
	s1 =	sadd.s32 s1, s30  }
0xba: {  	s0 =	sor.u32 s3, s0;
	s1 =	sshll.u32 s1, $0x11  }
0xbb: {  	s0 =	sor.u32 s1, s0  }
0xbc: {  	s0 =	sadd.s32 $0x8F2B, s0  }
0xbd: {  	[sflag:s0] =	ssyncadd.remote.s32 $0x1  }
0xbe: {  	_ =	sfence.sel $0xFFFF  }
0xbf: {  	[dreg:$0x0] =	wrdreg $0xFFFFFFFF;
	(pc) =	sbr.abs _section_cstart, $3  }
0xc0: {  	[dreg:$0x1] =	wrdreg $0xFFFFFFFF  }
0xc1: {  	_ =	task.clear_ibuf [dreg:s7], $0x2FFFF;
	_ =	strace $0x9FFFFFFF  }
0xc2: {  	(tm) =	ssettm $0x7FFFFFFF  }
0xc3: {  	_ =	shalt  }
tec
execute0_lowered:
.L_overlay_start_1:
0x0: {  	(tag) =	ssettag $0x1  }
0x1: {  	s6 =	rddreg [dreg:$0x0]  }
0x2: {  	s1 =	rddreg [dreg:$0x1]  }
0x3: {  	s0 =	rddreg [dreg:$0x2];
	v0 =	vimm.s32 $0x83828180  }
0x4: {  	s2 =	simm.s32 $0x0;
	s4 =	srdreg.scid;
	v2 =	vimm.s32 $0x23222120;
	v3 =	vimm.s32 $0x27262524;
	s11 =	simm.s32 $0x1480  }
0x5: {  	s12 =	simm.s32 $0x9A80;
	s13 =	simm.s32 $0x4680;
	s14 =	simm.s32 $0x9B80;
	v1 =	vunpack.c.0.s8.s32 v0;
	v0 =	vimm.s32 $0x87868584  }
0x6: {  	s15 =	simm.s32 $0x5A80;
	s16 =	simm.s32 $0x0;
	[smem:$0x7FF] =	sst s2;
	v2 =	vunpack.c.0.s8.s32 v2;
	v3 =	vunpack.c.0.s8.s32 v3;
	v4 =	vunpack.c.0.s8.s32 v0  }
0x7: {  	vm0 =	vcmask $0x1F10;
	s3 =	sadd.s32 $0x33000, s6;
	s7 =	sand.u32 $0x1, s4;
	s5 =	sadd.s32 $0x1000, s6  }
0x8: {  	s4 =	stileid.u32;
	s6 =	sadd.s32 $0x47000, s6;
	s8 =	ssub.s32 $0x2, s7;
	v0 =	vlaneseq.u32;
	v2 =	vsel vm0, v3, v2;
	v4 =	vsel vm0, v4, v1  }
0x9: {  	s10 =	sshll.u32 s4, $0xA;
	s7 =	sshll.u32 s7, $0x9;
	s9 =	sshrl.u32 s8, $0x1;
	v3 =	vmul.u32 $0xA, v0;
	v7 =	vcombine.low v2, v4  }
0xa: {  	_ =	strace $0x80000047;
	s7 =	sor.u32 s7, s10;
	v5 =	vmul.u32 $0x4, v0;
	v6 =	vmul.u32 $0x28, v0;
	s8 =	ssub.s32 s8, s9;
	v1 =	vmul.u32 $0x64, v0  }
0xb: {  	s10 =	simm.s32 $0x80;
	s9 =	simm.s32 $0x1;
	s8 =	smax.u32 s8, $0x1;
	v2 =	vimm.f32 $0.0e+00;
	v4 =	vimm.f32 $1.000000000e+00;
	v7 =	vand.u32 $0xFF, v7  }
.LBB2_1:
0xc: {  	[tilespmem:s2], [sflag:$0x1] =	stream.linear.gather [hbm4b:s1+s2], $0x80, $0x38;
	[tilespmem:$0x9C80] =	vst v63  }
0xd: {  	_ =	swait.ge [sflag:s9], $0x80  }
0xe: {  	[sflag:s9] =	ssyncset.done $0x0  }
0xf: {  	s17 =	simm.s32 $0x0;
	[sflag:s9] =	ssyncadd.s32 $0xFFFFFF80  }
.LBB2_2:
0x10: {  	s18 =	sshll.u32 s17, $0x7  }
0x11: {  	s18 =	sadd.s32 s7, s18  }
0x12: {  	s19 =	smul.u32 $0x5, s18;
	_ =	sdelay $0x1  }
0x13: {  	s31 =	smul.u32 $0x64, s18;
	s20 =	sadd.s32 s3, s19;
	s19 =	simm.s32 $0x0  }
0x14: {  	[tilespmem:s10], [sflag:$0x1] =	stream.linear.gather [hbm4b:s20+s19], $0x1400, $0x38;
	[tilespmem:$0x9C80] =	vst v63  }
0x15: {  	_ =	swait.ge [sflag:s9], $0x1400  }
0x16: {  	s20 =	sshrl.u32 s31, $0x3;
	[sflag:s9] =	ssyncset.done $0x0  }
0x17: {  	s20 =	sadd.s32 s5, s20;
	[sflag:s9] =	ssyncadd.s32 $0xFFFFEC00  }
0x18: {  	[tilespmem:s11], [sflag:$0x1] =	stream.linear.gather [hbm4b:s20+s19], $0x3200, $0x38;
	[tilespmem:$0x9C80] =	vst v63  }
0x19: {  	_ =	swait.ge [sflag:s9], $0x3200  }
0x1a: {  	[sflag:s9] =	ssyncset.done $0x0  }
0x1b: {  	[sflag:s9] =	ssyncadd.s32 $0xFFFFCE00  }
.LBB2_3:
0x1c: {  	[tilespmem:$0x9A80] =	vst v2  }
0x1d: {  	[tilespmem:$0x9A90] =	vst v2  }
0x1e: {  	s20 =	smul.u32 $0x640, s19;
	[tilespmem:$0x9AA0] =	vst v2  }
0x1f: {  	[tilespmem:$0x9AB0] =	vst v2  }
0x20: {  	[tilespmem:$0x9AC0] =	vst v2;
	s23 =	simm.s32 $0x32;
	v8 =	vadd.s32 s20, v1  }
0x21: {  	[tilespmem:$0x9AD0] =	vst v2;
	s21 =	simm.s32 $0x36;
	v9 =	vadd.s32 s23, v8  }
0x22: {  	[tilespmem:$0x9AE0] =	vst v2;
	s24 =	simm.s32 $0x35;
	v10 =	vadd.s32 s21, v8  }
0x23: {  	[tilespmem:$0x9AF0] =	vst v2;
	s25 =	simm.s32 $0x37;
	v11 =	vadd.s32 s24, v8  }
0x24: {  	[tilespmem:$0x9B00] =	vst v2;
	s26 =	simm.s32 $0x34;
	v12 =	vadd.s32 s25, v8  }
0x25: {  	[tilespmem:$0x9B10] =	vst v2;
	s28 =	simm.s32 $0x3A;
	v13 =	vadd.s32 s26, v8  }
0x26: {  	s29 =	simm.s32 $0x39;
	v14 =	vadd.s32 s28, v8;
	v9 =	vld.idx.msk [tilespmem:v9+s11+$0x0], $0xffff  }
0x27: {  	s30 =	simm.s32 $0x3B;
	v15 =	vadd.s32 s29, v8;
	v10 =	vld.idx.msk [tilespmem:v10+s11+$0x0], $0xffff  }
0x28: {  	v16 =	vadd.s32 s30, v8;
	s21 =	simm.s32 $0x38;
	v18 =	vld.idx.msk [tilespmem:v11+s11+$0x0], $0xffff  }
0x29: {  	s23 =	simm.s32 $0x3C;
	v17 =	vadd.s32 s21, v8;
	v12 =	vld.idx.msk [tilespmem:v12+s11+$0x0], $0xffff  }
0x2a: {  	s31 =	simm.s32 $0x33;
	v20 =	vadd.s32 s23, v8;
	v13 =	vld.idx.msk [tilespmem:v13+s11+$0x0], $0xffff  }
0x2b: {  	s22 =	simm.s32 $0x40;
	v11 =	vadd.s32 s31, v8;
	v14 =	vld.idx.msk [tilespmem:v14+s11+$0x0], $0xffff  }
0x2c: {  	v19 =	vld.idx.msk [tilespmem:v15+s11+$0x0], $0xffff;
	v15 =	vadd.s32 s22, v8  }
0x2d: {  	v16 =	vld.idx.msk [tilespmem:v16+s11+$0x0], $0xffff;
	v9 =	vadd.s32 v3, v9  }
0x2e: {  	s24 =	simm.s32 $0x3F;
	v17 =	vld.idx.msk [tilespmem:v17+s11+$0x0], $0xffff;
	v21 =	vadd.s32 v3, v10  }
0x2f: {  	v22 =	vadd.s32 s24, v8;
	v23 =	vld.idx.msk [tilespmem:v20+s11+$0x0], $0xffff  }
0x30: {  	v11 =	vld.idx.msk [tilespmem:v11+s11+$0x0], $0xffff;
	v14 =	vadd.s32 v3, v14  }
0x31: {  	s25 =	simm.s32 $0x41;
	v12 =	vadd.s32 v3, v12;
	v10 =	vld.idx.msk [tilespmem:v15+s11+$0x0], $0xffff  }
0x32: {  	s26 =	simm.s32 $0x3E;
	v15 =	vadd.s32 s25, v8;
	[tilespmem:v9+s12+$0x0] =	vst.idx.add.f32.msk $0xffff, v4  }
0x33: {  	v20 =	vadd.s32 s26, v8;
	[tilespmem:v21+s12+$0x0] =	vst.idx.add.f32.msk $0xffff, v4  }
0x34: {  	v24 =	vadd.s32 v3, v13;
	v9 =	vld.idx.msk [tilespmem:v22+s11+$0x0], $0xffff  }
0x35: {  	v21 =	vadd.s32 v3, v11;
	[tilespmem:v14+s12+$0x0] =	vst.idx.add.f32.msk $0xffff, v4  }
0x36: {  	s28 =	simm.s32 $0x44;
	v14 =	vadd.s32 v3, v16;
	[tilespmem:v12+s12+$0x0] =	vst.idx.add.f32.msk $0xffff, v4  }
0x37: {  	v16 =	vadd.s32 s28, v8;
	v15 =	vld.idx.msk [tilespmem:v15+s11+$0x0], $0xffff  }
0x38: {  	s29 =	simm.s32 $0x43;
	v12 =	vadd.s32 v3, v17;
	v11 =	vld.idx.msk [tilespmem:v20+s11+$0x0], $0xffff  }
0x39: {  	v22 =	vadd.s32 s29, v8;
	[tilespmem:v24+s12+$0x0] =	vst.idx.add.f32.msk $0xffff, v4  }
0x3a: {  	v20 =	vadd.s32 v3, v19;
	[tilespmem:v21+s12+$0x0] =	vst.idx.add.f32.msk $0xffff, v4  }
0x3b: {  	s31 =	simm.s32 $0x45;
	v18 =	vadd.s32 v3, v18;
	[tilespmem:v14+s12+$0x0] =	vst.idx.add.f32.msk $0xffff, v4  }
0x3c: {  	s30 =	simm.s32 $0x3D;
	v17 =	vld.idx.msk [tilespmem:v16+s11+$0x0], $0xffff;
	v14 =	vadd.s32 s31, v8  }
0x3d: {  	s22 =	simm.s32 $0x42;
	[tilespmem:v12+s12+$0x0] =	vst.idx.add.f32.msk $0xffff, v4;
	v12 =	vadd.s32 s30, v8  }
0x3e: {  	s20 =	simm.s32 $0xA;
	v13 =	vadd.s32 s22, v8;
	v19 =	vadd.s32 v3, v23;
	v16 =	vld.idx.msk [tilespmem:v22+s11+$0x0], $0xffff  }
.LBB2_4:
0x3f: {  	s21 =	sadd.s32 $0x3C, s20;
	s22 =	sadd.s32 $0x3E, s20;
	s23 =	sadd.s32 $0x40, s20;
	[tilespmem:v20+s12+$0x0] =	vst.idx.add.f32.msk $0xffff, v4  }
0x40: {  	s24 =	sadd.s32 $0x3F, s20;
	v20 =	vadd.s32 s21, v8;
	s21 =	sadd.s32 $0x3D, s20;
	v21 =	vadd.s32 s23, v8;
	s23 =	sadd.s32 $0x41, s20;
	[tilespmem:v18+s12+$0x0] =	vst.idx.add.f32.msk $0xffff, v4  }
0x41: {  	s25 =	sadd.s32 $0x45, s20;
	v23 =	vadd.s32 v3, v10;
	v18 =	vadd.s32 s21, v8;
	v22 =	vadd.s32 s23, v8;
	s21 =	sadd.s32 $0x43, s20;
	s23 =	sadd.s32 $0x44, s20;
	v24 =	vld.idx.msk [tilespmem:v14+s11+$0x0], $0xffff  }
0x42: {  	s26 =	sadd.s32 $0x42, s20;
	v14 =	vadd.s32 s25, v8;
	s20 =	sadd.s32 $0xA, s20;
	v25 =	vadd.s32 s21, v8;
	v26 =	vld.idx.msk [tilespmem:v12+s11+$0x0], $0xffff;
	v12 =	vmov v18  }
0x43: {  	v27 =	vadd.s32 s22, v8;
	v28 =	vadd.s32 s24, v8;
	p0 =	slt.u32 s20, $0x28;
	v29 =	vld.idx.msk [tilespmem:v13+s11+$0x0], $0xffff;
	v13 =	vadd.s32 s26, v8  }
0x44: {  	v15 =	vadd.s32 v3, v15;
	v17 =	vadd.s32 v3, v17;
	[tilespmem:v19+s12+$0x0] =	vst.idx.add.f32.msk $0xffff, v4  }
0x45: {  	v18 =	vadd.s32 v3, v9;
	v10 =	vld.idx.msk [tilespmem:v21+s11+$0x0], $0xffff  }
0x46: {  	v21 =	vadd.s32 v3, v11;
	v19 =	vld.idx.msk [tilespmem:v20+s11+$0x0], $0xffff  }
0x47: {  	v30 =	vadd.s32 s23, v8;
	v20 =	vadd.s32 v3, v16;
	[tilespmem:v23+s12+$0x0] =	vst.idx.add.f32.msk $0xffff, v4  }
0x48: {  	v16 =	vadd.s32 v3, v26;
	v9 =	vld.idx.msk [tilespmem:v28+s11+$0x0], $0xffff  }
0x49: {  	v23 =	vadd.s32 v3, v29;
	[tilespmem:v17+s12+$0x0] =	vst.idx.add.f32.msk $0xffff, v4;
	v17 =	vadd.s32 v3, v24  }
0x4a: {  	[tilespmem:v15+s12+$0x0] =	vst.idx.add.f32.msk $0xffff, v4  }
0x4b: {  	v15 =	vld.idx.msk [tilespmem:v22+s11+$0x0], $0xffff  }
0x4c: {  	v11 =	vld.idx.msk [tilespmem:v27+s11+$0x0], $0xffff  }
0x4d: {  	[tilespmem:v16+s12+$0x0] =	vst.idx.add.f32.msk $0xffff, v4  }
.Ltmp0:
0x4e: {  	[tilespmem:v17+s12+$0x0] =	vst.idx.add.f32.msk $0xffff, v4;
	(pc) =	sbr.rel @p0 .LBB2_4-.Ltmp0, $4  }
0x4f: {  	v17 =	vld.idx.msk [tilespmem:v30+s11+$0x0], $0xffff  }
0x50: {  	[tilespmem:v23+s12+$0x0] =	vst.idx.add.f32.msk $0xffff, v4  }
0x51: {  	v19 =	vadd.s32 v3, v19;
	v16 =	vld.idx.msk [tilespmem:v25+s11+$0x0], $0xffff  }
0x52: {  	[tilespmem:v21+s12+$0x0] =	vst.idx.add.f32.msk $0xffff, v4  }
0x53: {  	_ =	sdelay $0x3  }
0x54: {  	v12 =	vld.idx.msk [tilespmem:v12+s11+$0x0], $0xffff  }
0x55: {  	v14 =	vld.idx.msk [tilespmem:v14+s11+$0x0], $0xffff;
	v10 =	vadd.s32 v3, v10  }
0x56: {  	v13 =	vld.idx.msk [tilespmem:v13+s11+$0x0], $0xffff;
	v15 =	vadd.s32 v3, v15  }
0x57: {  	[tilespmem:v20+s12+$0x0] =	vst.idx.add.f32.msk $0xffff, v4;
	v11 =	vadd.s32 v3, v11  }
0x58: {  	[tilespmem:v18+s12+$0x0] =	vst.idx.add.f32.msk $0xffff, v4;
	v9 =	vadd.s32 v3, v9  }
0x59: {  	[tilespmem:v19+s12+$0x0] =	vst.idx.add.f32.msk $0xffff, v4;
	v17 =	vadd.s32 v3, v17  }
0x5a: {  	v12 =	vadd.s32 v3, v12;
	[tilespmem:v10+s12+$0x0] =	vst.idx.add.f32.msk $0xffff, v4  }
0x5b: {  	v14 =	vadd.s32 v3, v14;
	[tilespmem:v15+s12+$0x0] =	vst.idx.add.f32.msk $0xffff, v4  }
0x5c: {  	v10 =	vadd.s32 v3, v13;
	[tilespmem:v11+s12+$0x0] =	vst.idx.add.f32.msk $0xffff, v4  }
0x5d: {  	v13 =	vadd.s32 v3, v16;
	[tilespmem:v9+s12+$0x0] =	vst.idx.add.f32.msk $0xffff, v4  }
0x5e: {  	[tilespmem:v17+s12+$0x0] =	vst.idx.add.f32.msk $0xffff, v4  }
0x5f: {  	[tilespmem:v12+s12+$0x0] =	vst.idx.add.f32.msk $0xffff, v4  }
0x60: {  	s20 =	smul.u32 $0x280, s19;
	s22 =	simm.s32 $0x40;
	[tilespmem:v14+s12+$0x0] =	vst.idx.add.f32.msk $0xffff, v4  }
0x61: {  	v11 =	vmov s22;
	[tilespmem:v10+s12+$0x0] =	vst.idx.add.f32.msk $0xffff, v4  }
0x62: {  	s23 =	simm.s32 $0x9AA0;
	v9 =	vmov s20;
	s20 =	simm.s32 $0x0;
	v11 =	vshll.u32 v11, $0x2;
	[tilespmem:v13+s12+$0x0] =	vst.idx.add.f32.msk $0xffff, v4  }
0x63: {  	s30 =	simm.s32 $0x30;
	v22 =	vmov s20;
	v15 =	vor.u32 v5, v11;
	v12 =	vld [tilespmem:s23+$0xFFFFFFF0]  }
0x64: {  	s21 =	simm.s32 $0x10;
	v11 =	vmov s30;
	v22 =	vshll.u32 v22, $0x2;
	v16 =	vadd.s32 v9, v15  }
0x65: {  	v11 =	vshll.u32 v11, $0x2;
	v22 =	vor.u32 v5, v22;
	v10 =	vmov s21;
	v14 =	vld [tilespmem:s23+$0x20]  }
0x66: {  	v21 =	vand.u32 $0x7FFFFF80, v16;
	v16 =	vor.u32 v5, v11;
	v10 =	vshll.u32 v10, $0x2;
	v18 =	vld [tilespmem:s23+$0x10]  }
0x67: {  	v23 =	vadd.s32 v9, v22;
	v22 =	vand.u32 $0x7C, v22;
	v11 =	vld [tilespmem:s23+$0x0];
	v10 =	vor.u32 v5, v10  }
0x68: {  	s31 =	simm.s32 $0x20;
	v23 =	vand.u32 $0x7FFFFF80, v23;
	v20 =	vld [tilespmem:s23+$0xFFFFFFE0];
	v13 =	vadd.s32 v9, v10;
	v12 =	vadd.f32 $1.000000000e+00, v12  }
0x69: {  	v49 =	vor.u32 v22, v23;
	v17 =	vand.u32 $0x7FFFFF80, v13;
	v13 =	vmov s31  }
0x6a: {  	v44 =	vor.u32 $0x1, v49;
	v13 =	vshll.u32 v13, $0x2;
	v12 =	vtrunc.f32 v12  }
0x6b: {  	v10 =	vand.u32 $0x7C, v10;
	v19 =	vor.u32 v5, v13;
	v12 =	vcvt.f32.s32 v12  }
0x6c: {  	p2 =	por $0x1, $0x1;
	v13 =	vadd.s32 v9, v16;
	v18 =	vadd.f32 $1.000000000e+00, v18;
	v14 =	vadd.f32 $1.000000000e+00, v14  }
.Ltmp1:
0x6d: {  	v11 =	vadd.f32 $1.000000000e+00, v11;
	v20 =	vadd.f32 $1.000000000e+00, v20;
	v41 =	vand.u32 $0x7FFFFF80, v13;
	(pc) =	sbr.rel @!p2 .LBB2_6-.Ltmp1, $4  }
0x6e: {  	v13 =	vadd.s32 v9, v19;
	v18 =	vtrunc.f32 v18;
	v14 =	vtrunc.f32 v14  }
0x6f: {  	v19 =	vand.u32 $0x7C, v19;
	v11 =	vtrunc.f32 v11;
	v20 =	vtrunc.f32 v20  }
0x70: {  	p0 =	por $0x0, $0x0;
	p1 =	por $0x0, $0x0;
	v13 =	vand.u32 $0x7FFFFF80, v13;
	v23 =	vcvt.f32.s32 v14;
	v11 =	vcvt.f32.s32 v11  }
0x71: {  	s22 =	simm.s32 $0x50;
	s21 =	simm.s32 $0x9BA0;
	s23 =	simm.s32 $0x9AF0;
	v14 =	vor.u32 v10, v17;
	v20 =	vcvt.f32.s32 v20;
	v48 =	vcvt.f32.s32 v18;
	v42 =	vld.idx.msk [tilespmem:v12+s2+$0x0], $0xffff  }
0x72: {  	_ = 	snop  }
0x73: {  	s24 =	simm.s32 $0x60;
	s25 =	simm.s32 $0x90;
	s31 =	simm.s32 $0x70;
	v15 =	vand.u32 $0x7C, v15;
	v40 =	vor.u32 v19, v13;
	v33 =	vor.u32 $0x2, v14  }
0x74: {  	v17 =	vld [tilespmem:s23+$0x20];
	v10 =	vmov s24;
	v12 =	vmov s25;
	v27 =	vmov s31  }
0x75: {  	v25 =	vld [tilespmem:s23+$0xFFFFFFF0];
	v35 =	vor.u32 v15, v21;
	v10 =	vshll.u32 v10, $0x2;
	v12 =	vshll.u32 v12, $0x2  }
0x76: {  	s30 =	simm.s32 $0x80;
	v23 =	vld.idx.msk [tilespmem:v23+s2+$0x0], $0xffff;
	v15 =	vor.u32 $0x1, v14;
	v10 =	vor.u32 v5, v10;
	v31 =	vor.u32 v5, v12  }
0x77: {  	v28 =	vld.idx.msk [tilespmem:v48+s2+$0x0], $0xffff;
	v12 =	vmov s30;
	v24 =	vmul.f32 v42, v42;
	v22 =	vadd.s32 v9, v10  }
0x78: {  	v21 =	vld [tilespmem:s23+$0x10];
	[tilespmem:s21+$0xFFFFFFF0] =	vst v42;
	v26 =	vand.u32 $0x7C, v10;
	v10 =	vadd.s32 v9, v31;
	v12 =	vshll.u32 v12, $0x2  }
0x79: {  	v18 =	vld.idx.msk [tilespmem:v14+s10+$0x0], $0xffff;
	v22 =	vand.u32 $0x7FFFFF80, v22;
	v36 =	vand.u32 $0x7FFFFF80, v10;
	v10 =	vshll.u32 v27, $0x2  }
0x7a: {  	v39 =	vor.u32 v5, v12;
	v12 =	vand.u32 $0x7C, v16;
	v16 =	vld [tilespmem:s23+$0xFFFFFFE0];
	v25 =	vadd.f32 $1.000000000e+00, v25  }
0x7b: {  	v27 =	vld [tilespmem:s23+$0x0];
	v17 =	vadd.f32 $1.000000000e+00, v17;
	v32 =	vor.u32 v5, v10;
	v10 =	vadd.s32 v9, v39  }
0x7c: {  	v43 =	vor.u32 v12, v41;
	v12 =	vld.idx.msk [tilespmem:v20+s2+$0x0], $0xffff;
	[tilespmem:s21+$0x10] =	vst v28;
	v30 =	vmul.f32 v28, v28;
	v28 =	vor.u32 $0x1, v35  }
0x7d: {  	v41 =	vand.u32 $0x7FFFFF80, v10;
	v10 =	vadd.s32 v9, v32;
	v25 =	vtrunc.f32 v25  }
0x7e: {  	[tilespmem:s21+$0x20] =	vst v23;
	v20 =	vmul.f32 v18, v24;
	v18 =	vmul.f32 v23, v23;
	v23 =	vmov s22  }
0x7f: {  	v29 =	vor.u32 $0x1, v43;
	v38 =	vand.u32 $0x7FFFFF80, v10;
	v10 =	vshll.u32 v23, $0x2;
	v23 =	vld.idx.msk [tilespmem:v35+s10+$0x0], $0xffff  }
0x80: {  	v45 =	vld.idx.msk [tilespmem:v11+s2+$0x0], $0xffff;
	v25 =	vcvt.f32.s32 v25;
	v13 =	vadd.f32 $1.000000000e+00, v16;
	v11 =	vadd.f32 $1.000000000e+00, v27;
	[tilespmem:v14+s13+$0x0] =	vst.idx.msk $0xffff, v20  }
0x81: {  	v27 =	vor.u32 v26, v22;
	v46 =	vmul.f32 v12, v12;
	v20 =	vadd.f32 $1.000000000e+00, v21;
	v21 =	vld.idx.msk [tilespmem:v15+s10+$0x0], $0xffff  }
0x82: {  	v19 =	vld.idx.msk [tilespmem:v43+s10+$0x0], $0xffff;
	[tilespmem:s21+$0xFFFFFFE0] =	vst v12;
	v10 =	vor.u32 v5, v10;
	v11 =	vtrunc.f32 v11;
	v13 =	vtrunc.f32 v13  }
0x83: {  	v34 =	vld.idx.msk [tilespmem:v49+s10+$0x0], $0xffff;
	v16 =	vadd.s32 v9, v10;
	v10 =	vand.u32 $0x7C, v10;
	v11 =	vcvt.f32.s32 v11  }
0x84: {  	p2 =	por $0x0, $0x0;
	v16 =	vand.u32 $0x7FFFFF80, v16;
	v12 =	vtrunc.f32 v20;
	v20 =	vmul.f32 v23, v18  }
.Ltmp2:
0x85: {  	[tilespmem:s21+$0x0] =	vst v45;
	v10 =	vor.u32 v10, v16;
	v16 =	vtrunc.f32 v17;
	v48 =	vcvt.f32.s32 v12;
	(pc) =	sbr.rel @!p2 .LBB2_8-.Ltmp2, $4  }
0x86: {  	v53 =	vld.idx.msk [tilespmem:v40+s10+$0x0], $0xffff;
	v12 =	vor.u32 $0x3, v49;
	[tilespmem:v35+s13+$0x0] =	vst.idx.msk $0xffff, v20;
	v20 =	vcvt.f32.s32 v13;
	v13 =	vmul.f32 v21, v24  }
0x87: {  	v14 =	vor.u32 $0x3, v14;
	v42 =	vld.idx.msk [tilespmem:v25+s2+$0x0], $0xffff;
	v23 =	vcvt.f32.s32 v16;
	v17 =	vmul.f32 v19, v30  }
0x88: {  	p0 =	por $0x1, $0x1;
	v16 =	vor.u32 $0x2, v49;
	v19 =	vand.u32 $0x7C, v32;
	v55 =	vmul.f32 v34, v46;
	v51 =	vld.idx.msk [tilespmem:v28+s10+$0x0], $0xffff;
	[tilespmem:v15+s13+$0x0] =	vst.idx.msk $0xffff, v13  }
0x89: {  	s23 =	simm.s32 $0x9B40;
	s22 =	simm.s32 $0x9BF0;
	s21 =	simm.s32 $0xA0;
	v34 =	vor.u32 $0x1, v40;
	[tilespmem:v43+s13+$0x0] =	vst.idx.msk $0xffff, v17;
	v13 =	vor.u32 $0x2, v40;
	v15 =	vor.u32 $0x1, v10;
	v52 =	vld.idx.msk [tilespmem:v33+s10+$0x0], $0xffff  }
0x8a: {  	_ =	sdelay $0x3  }
0x8b: {  	v26 =	vld.idx.msk [tilespmem:v29+s10+$0x0], $0xffff  }
0x8c: {  	v56 =	vld [tilespmem:s23+$0x20]  }
0x8d: {  	s25 =	simm.s32 $0xE0;
	v17 =	vmul.f32 v45, v45;
	v50 =	vor.u32 $0x2, v43;
	v45 =	vor.u32 $0x2, v35;
	v47 =	vld.idx.msk [tilespmem:v48+s2+$0x0], $0xffff  }
0x8e: {  	s24 =	simm.s32 $0xB0;
	v23 =	vld.idx.msk [tilespmem:v23+s2+$0x0], $0xffff;
	v58 =	vand.u32 $0x7C, v39;
	v39 =	vor.u32 v19, v38;
	v22 =	vmov s25  }
0x8f: {  	[tilespmem:v49+s13+$0x0] =	vst.idx.msk $0xffff, v55;
	v20 =	vld.idx.msk [tilespmem:v20+s2+$0x0], $0xffff;
	v21 =	vmov s24;
	v25 =	vshll.u32 v22, $0x2;
	v22 =	vmul.f32 v42, v42  }
0x90: {  	s30 =	simm.s32 $0xD0;
	v37 =	vshll.u32 v21, $0x2;
	[tilespmem:s22+$0xFFFFFFF0] =	vst v42;
	v42 =	vld.idx.msk [tilespmem:v44+s10+$0x0], $0xffff;
	v21 =	vor.u32 v5, v25;
	v25 =	vmul.f32 v53, v17  }
0x91: {  	v43 =	vor.u32 $0x3, v43;
	v59 =	vmov s30;
	v32 =	vmul.f32 v51, v18;
	v48 =	vld.idx.msk [tilespmem:v27+s10+$0x0], $0xffff  }
0x92: {  	s31 =	simm.s32 $0xC0;
	v41 =	vor.u32 v58, v41;
	v49 =	vshll.u32 v59, $0x2;
	v51 =	vmul.f32 v52, v24;
	v52 =	vld [tilespmem:s23+$0xFFFFFFF0];
	[tilespmem:v40+s13+$0x0] =	vst.idx.msk $0xffff, v25  }
0x93: {  	v62 =	vmov s31;
	v37 =	vor.u32 v5, v37;
	v61 =	vadd.s32 v9, v21;
	[tilespmem:v28+s13+$0x0] =	vst.idx.msk $0xffff, v32;
	v54 =	vld.idx.msk [tilespmem:v34+s10+$0x0], $0xffff  }
0x94: {  	v28 =	vand.u32 $0x7C, v31;
	v32 =	vmul.f32 v26, v30;
	v26 =	vshll.u32 v62, $0x2;
	v57 =	vld.idx.msk [tilespmem:v45+s10+$0x0], $0xffff  }
0x95: {  	v25 =	vand.u32 $0x7FFFFF80, v61;
	[tilespmem:s22+$0x20] =	vst v23;
	v31 =	vor.u32 v28, v36;
	v61 =	vor.u32 v5, v26;
	v28 =	vld [tilespmem:s23+$0x10]  }
0x96: {  	v59 =	vor.u32 $0x1, v27;
	v26 =	vor.u32 v5, v49;
	v49 =	vld [tilespmem:s23+$0x0];
	v63 =	vmul.f32 v42, v46;
	[tilespmem:v29+s13+$0x0] =	vst.idx.msk $0xffff, v32  }
0x97: {  	v60 =	vadd.s32 v9, v37;
	v55 =	vand.u32 $0x7C, v37;
	[tilespmem:s22+$0x10] =	vst v47;
	v29 =	vadd.s32 v9, v26;
	v42 =	vld.idx.msk [tilespmem:v50+s10+$0x0], $0xffff  }
0x98: {  	v53 =	vand.u32 $0x7FFFFF80, v60;
	v38 =	vmul.f32 v47, v47;
	v32 =	vand.u32 $0x7FFFFF80, v29;
	v29 =	vld [tilespmem:s23+$0xFFFFFFE0];
	[tilespmem:v44+s13+$0x0] =	vst.idx.msk $0xffff, v63  }
0x99: {  	v62 =	vmov s21;
	[tilespmem:v33+s13+$0x0] =	vst.idx.msk $0xffff, v51;
	v48 =	vmul.f32 v48, v22;
	v52 =	vadd.f32 $1.000000000e+00, v52;
	v44 =	vld.idx.msk [tilespmem:v16+s10+$0x0], $0xffff  }
0x9a: {  	v36 =	vmul.f32 v23, v23;
	v60 =	vadd.s32 v9, v61;
	v23 =	vmul.f32 v54, v17;
	v19 =	vld.idx.msk [tilespmem:v31+s10+$0x0], $0xffff  }
0x9b: {  	v47 =	vor.u32 $0x3, v35;
	[tilespmem:v27+s13+$0x0] =	vst.idx.msk $0xffff, v48;
	v33 =	vtrunc.f32 v52;
	v63 =	vmul.f32 v57, v18;
	v52 =	vld.idx.msk [tilespmem:v41+s10+$0x0], $0xffff  }
0x9c: {  	v37 =	vand.u32 $0x7FFFFF80, v60;
	v60 =	vshll.u32 v62, $0x2;
	v57 =	vcvt.f32.s32 v33;
	v33 =	vld.idx.msk [tilespmem:v14+s10+$0x0], $0xffff;
	[tilespmem:v34+s13+$0x0] =	vst.idx.msk $0xffff, v23  }
0x9d: {  	v58 =	vmul.f32 v20, v20;
	v23 =	vor.u32 v5, v60;
	[tilespmem:v45+s13+$0x0] =	vst.idx.msk $0xffff, v63;
	v45 =	vld.idx.msk [tilespmem:v11+s2+$0x0], $0xffff  }
0x9e: {  	v29 =	vadd.f32 $1.000000000e+00, v29;
	v42 =	vmul.f32 v42, v30;
	v60 =	vld.idx.msk [tilespmem:v59+s10+$0x0], $0xffff;
	v62 =	vadd.s32 v9, v23  }
0x9f: {  	v63 =	vadd.f32 $1.000000000e+00, v49;
	v23 =	vand.u32 $0x7C, v23;
	v51 =	vld.idx.msk [tilespmem:v13+s10+$0x0], $0xffff;
	v34 =	vand.u32 $0x7FFFFF80, v62  }
0xa0: {  	v11 =	vmul.f32 v44, v46;
	[tilespmem:v50+s13+$0x0] =	vst.idx.msk $0xffff, v42;
	v50 =	vor.u32 $0x3, v40;
	v40 =	vor.u32 v55, v53  }
0xa1: {  	[tilespmem:s22+$0xFFFFFFE0] =	vst v20;
	v35 =	vld.idx.msk [tilespmem:v47+s10+$0x0], $0xffff;
	v54 =	vor.u32 v23, v34;
	v23 =	vadd.f32 $1.000000000e+00, v28;
	v19 =	vmul.f32 v19, v36  }
0xa2: {  	v34 =	vadd.f32 $1.000000000e+00, v56;
	v52 =	vmul.f32 v52, v38;
	[tilespmem:v16+s13+$0x0] =	vst.idx.msk $0xffff, v11;
	v16 =	vmul.f32 v33, v24  }
0xa3: {  	v28 =	vor.u32 $0x1, v31;
	v56 =	vld.idx.msk [tilespmem:v43+s10+$0x0], $0xffff;
	v11 =	vtrunc.f32 v63;
	v62 =	vtrunc.f32 v23;
	[tilespmem:v31+s13+$0x0] =	vst.idx.msk $0xffff, v19  }
0xa4: {  	v24 =	vld.idx.msk [tilespmem:v10+s10+$0x0], $0xffff;
	v33 =	vor.u32 $0x2, v27;
	v20 =	vtrunc.f32 v34;
	v11 =	vcvt.f32.s32 v11;
	[tilespmem:s22+$0x0] =	vst v45  }
0xa5: {  	p2 =	por $0x0, $0x0;
	v19 =	vld.idx.msk [tilespmem:v12+s10+$0x0], $0xffff;
	[tilespmem:v41+s13+$0x0] =	vst.idx.msk $0xffff, v52;
	v34 =	vor.u32 $0x1, v39;
	v23 =	vcvt.f32.s32 v20;
	v63 =	vmul.f32 v51, v17  }
.Ltmp3:
0xa6: {  	v42 =	vld.idx.msk [tilespmem:v57+s2+$0x0], $0xffff;
	v20 =	vtrunc.f32 v29;
	[tilespmem:v14+s13+$0x0] =	vst.idx.msk $0xffff, v16;
	v14 =	vmul.f32 v60, v22;
	v29 =	vor.u32 $0x1, v41;
	(pc) =	sbr.rel @!p2 .LBB2_10-.Ltmp3, $4  }
0xa7: {  	v48 =	vcvt.f32.s32 v62;
	v62 =	vor.u32 $0x3, v10;
	v16 =	vor.u32 $0x2, v10;
	v53 =	vld.idx.msk [tilespmem:v39+s10+$0x0], $0xffff;
	[tilespmem:v13+s13+$0x0] =	vst.idx.msk $0xffff, v63  }
0xa8: {  	v20 =	vcvt.f32.s32 v20;
	v51 =	vld.idx.msk [tilespmem:v28+s10+$0x0], $0xffff;
	v30 =	vmul.f32 v56, v30;
	[tilespmem:v59+s13+$0x0] =	vst.idx.msk $0xffff, v14;
	v13 =	vor.u32 $0x2, v39  }
0xa9: {  	s26 =	simm.s32 $0xA;
	p1 =	por $0x1, $0x1;
	s24 =	simm.s32 $0x9B90;
	v56 =	vor.u32 $0x1, v54;
	v59 =	vmul.f32 v35, v18;
	v57 =	vld.idx.msk [tilespmem:v50+s10+$0x0], $0xffff;
	v55 =	vmul.f32 v24, v58  }
0xaa: {  	s21 =	simm.s32 $0x9C40;
	s23 =	simm.s32 $0xF0;
	s22 =	simm.s32 $0x9C40;
	v14 =	vor.u32 $0x3, v27;
	v52 =	vld.idx.msk [tilespmem:v33+s10+$0x0], $0xffff;
	v60 =	vmul.f32 v19, v46;
	v19 =	vand.u32 $0x7C, v61;
	[tilespmem:v43+s13+$0x0] =	vst.idx.msk $0xffff, v30  }
.LBB2_11:
0xab: {  	v35 =	vmul.f32 v45, v45;
	v43 =	vld.idx.msk [tilespmem:v29+s10+$0x0], $0xffff;
	s25 =	smov.u32 s26  }
0xac: {  	s28 =	sadd.s32 $0x10, s23;
	s29 =	sadd.s32 $0x40, s23;
	v30 =	vor.u32 $0x2, v41;
	v44 =	vor.u32 $0x2, v31;
	[tilespmem:v12+s13+$0x0] =	vst.idx.msk $0xffff, v60;
	v18 =	vmovc v58;
	v24 =	vmovc v40;
	v12 =	vmov v62;
	s25 =	sadd.s32 $0x5, s26  }
0xad: {  	v49 =	vmul.f32 v51, v36;
	v45 =	vmov s28;
	v27 =	vmov s29;
	v46 =	vld [tilespmem:s24+$0x20];
	p2 =	slt.u32 s25, s26;
	[tilespmem:v10+s13+$0x0] =	vst.idx.msk $0xffff, v55;
	v10 =	vmovc v54  }
0xae: {  	v51 =	vshll.u32 v27, $0x2;
	v27 =	vmul.f32 v42, v42;
	v54 =	vmul.f32 v57, v17;
	v17 =	vmovc v35;
	v48 =	vld.idx.msk [tilespmem:v48+s2+$0x0], $0xffff  }
0xaf: {  	v35 =	vshll.u32 v45, $0x2;
	s26 =	sadd.s32 $0x30, s23;
	v45 =	vor.u32 v5, v51;
	v51 =	vmul.f32 v53, v17;
	[tilespmem:s22+$0xFFFFFFF0] =	vst v42;
	v42 =	vld.idx.msk [tilespmem:v15+s10+$0x0], $0xffff  }
0xb0: {  	v35 =	vor.u32 v5, v35;
	v53 =	vmov s26;
	v52 =	vmul.f32 v52, v22;
	v40 =	vld.idx.msk [tilespmem:v40+s10+$0x0], $0xffff;
	[tilespmem:v47+s13+$0x0] =	vst.idx.msk $0xffff, v59  }
0xb1: {  	v55 =	vadd.s32 v9, v35;
	v57 =	vand.u32 $0x7C, v35;
	v35 =	vadd.s32 v9, v45;
	v47 =	vld [tilespmem:s24+$0xFFFFFFF0];
	[tilespmem:v50+s13+$0x0] =	vst.idx.msk $0xffff, v54  }
0xb2: {  	s26 =	sadd.s32 $0x20, s23;
	v55 =	vand.u32 $0x7FFFFF80, v55;
	v50 =	vshll.u32 v53, $0x2;
	v53 =	vand.u32 $0x7FFFFF80, v35;
	v23 =	vld.idx.msk [tilespmem:v23+s2+$0x0], $0xffff;
	[tilespmem:v39+s13+$0x0] =	vst.idx.msk $0xffff, v51  }
0xb3: {  	v43 =	vmul.f32 v43, v38;
	v35 =	vmov s26;
	v51 =	vand.u32 $0x7C, v21;
	v21 =	vmovc v45;
	v54 =	vld.idx.msk [tilespmem:v34+s10+$0x0], $0xffff;
	[tilespmem:v28+s13+$0x0] =	vst.idx.msk $0xffff, v49  }
0xb4: {  	v28 =	vshll.u32 v35, $0x2;
	v49 =	vor.u32 $0x1, v24;
	v45 =	vor.u32 v51, v25;
	[tilespmem:v33+s13+$0x0] =	vst.idx.msk $0xffff, v52;
	v33 =	vld.idx.msk [tilespmem:v44+s10+$0x0], $0xffff  }
0xb5: {  	v50 =	vor.u32 v5, v50;
	v25 =	vmovc v53;
	v35 =	vor.u32 v5, v28;
	v42 =	vmul.f32 v42, v18;
	v28 =	vld [tilespmem:s24+$0x10]  }
0xb6: {  	v51 =	vadd.s32 v9, v50;
	v40 =	vmul.f32 v40, v27;
	v20 =	vld.idx.msk [tilespmem:v20+s2+$0x0], $0xffff;
	[tilespmem:v29+s13+$0x0] =	vst.idx.msk $0xffff, v43  }
0xb7: {  	v29 =	vadd.f32 $1.000000000e+00, v47;
	v43 =	vand.u32 $0x7FFFFF80, v51;
	v47 =	vand.u32 $0x7C, v26;
	v26 =	vmovc v50;
	[tilespmem:v15+s13+$0x0] =	vst.idx.msk $0xffff, v42;
	v42 =	vld.idx.msk [tilespmem:v30+s10+$0x0], $0xffff  }
0xb8: {  	v58 =	vadd.s32 v9, v35;
	v47 =	vor.u32 v47, v32;
	v61 =	vmul.f32 v23, v23;
	v50 =	vld [tilespmem:s24+$0xFFFFFFE0];
	[tilespmem:s22+$0x20] =	vst v23  }
0xb9: {  	v23 =	vtrunc.f32 v29;
	v29 =	vand.u32 $0x7FFFFF80, v58;
	v51 =	vmul.f32 v54, v17;
	[tilespmem:v24+s13+$0x0] =	vst.idx.msk $0xffff, v40;
	v40 =	vld.idx.msk [tilespmem:v16+s10+$0x0], $0xffff  }
0xba: {  	v52 =	vmov s23;
	v32 =	vmovc v43;
	v15 =	vmovc v56;
	v53 =	vcvt.f32.s32 v23;
	v33 =	vmul.f32 v33, v36;
	v23 =	vld [tilespmem:s24+$0x0];
	[tilespmem:s22+$0x10] =	vst v48  }
0xbb: {  	v19 =	vor.u32 v19, v37;
	v59 =	vor.u32 $0x3, v41;
	v43 =	vshll.u32 v52, $0x2;
	v52 =	vld.idx.msk [tilespmem:v45+s10+$0x0], $0xffff;
	[tilespmem:v34+s13+$0x0] =	vst.idx.msk $0xffff, v51  }
0xbc: {  	v34 =	vor.u32 v5, v43;
	v43 =	vmul.f32 v48, v48;
	v48 =	vld.idx.msk [tilespmem:v14+s10+$0x0], $0xffff;
	[tilespmem:v44+s13+$0x0] =	vst.idx.msk $0xffff, v33  }
0xbd: {  	v41 =	vmovc v47;
	v33 =	vadd.s32 v9, v34;
	v42 =	vmul.f32 v42, v38;
	v44 =	vadd.f32 $1.000000000e+00, v50;
	v51 =	vld.idx.msk [tilespmem:v47+s10+$0x0], $0xffff  }
0xbe: {  	v37 =	vmovc v29;
	v34 =	vand.u32 $0x7C, v34;
	v33 =	vand.u32 $0x7FFFFF80, v33;
	v47 =	vor.u32 $0x3, v31;
	v31 =	vmovc v45;
	v56 =	vld.idx.msk [tilespmem:v13+s10+$0x0], $0xffff  }
0xbf: {  	v28 =	vadd.f32 $1.000000000e+00, v28;
	v54 =	vor.u32 v34, v33;
	v45 =	vld.idx.msk [tilespmem:v11+s2+$0x0], $0xffff;
	v11 =	vmul.f32 v40, v18  }
0xc0: {  	v29 =	vadd.f32 $1.000000000e+00, v46;
	s22 =	sadd.s32 $0x50, s22;
	v58 =	vmul.f32 v20, v20;
	v23 =	vadd.f32 $1.000000000e+00, v23;
	v34 =	vld.idx.msk [tilespmem:v49+s10+$0x0], $0xffff;
	[tilespmem:v30+s13+$0x0] =	vst.idx.msk $0xffff, v42  }
0xc1: {  	v30 =	vtrunc.f32 v28;
	v28 =	vor.u32 $0x1, v31;
	[tilespmem:s21+$0xFFFFFFE0] =	vst v20;
	v20 =	vmul.f32 v52, v61;
	v46 =	vld.idx.msk [tilespmem:v59+s10+$0x0], $0xffff  }
0xc2: {  	v29 =	vtrunc.f32 v29;
	v50 =	vor.u32 $0x3, v39;
	v52 =	vld.idx.msk [tilespmem:v10+s10+$0x0], $0xffff;
	[tilespmem:v16+s13+$0x0] =	vst.idx.msk $0xffff, v11;
	v16 =	vmul.f32 v48, v22  }
0xc3: {  	v33 =	vor.u32 $0x2, v24;
	v11 =	vtrunc.f32 v23;
	v23 =	vcvt.f32.s32 v29;
	v22 =	vmovc v27;
	[tilespmem:v31+s13+$0x0] =	vst.idx.msk $0xffff, v20;
	v60 =	vld.idx.msk [tilespmem:v12+s10+$0x0], $0xffff  }
0xc4: {  	v39 =	vmovc v19;
	v40 =	vor.u32 v57, v55;
	v20 =	vtrunc.f32 v44;
	v27 =	vmul.f32 v56, v17;
	v44 =	vld.idx.msk [tilespmem:v47+s10+$0x0], $0xffff  }
0xc5: {  	v63 =	vmul.f32 v51, v43;
	v11 =	vcvt.f32.s32 v11;
	v42 =	vld.idx.msk [tilespmem:v53+s2+$0x0], $0xffff;
	[tilespmem:v14+s13+$0x0] =	vst.idx.msk $0xffff, v16  }
.Ltmp4:
0xc6: {  	v29 =	vor.u32 $0x1, v41;
	v20 =	vcvt.f32.s32 v20;
	v14 =	vmul.f32 v34, v22;
	v51 =	vld.idx.msk [tilespmem:v28+s10+$0x0], $0xffff;
	[tilespmem:v13+s13+$0x0] =	vst.idx.msk $0xffff, v27;
	(pc) =	sbr.rel @p2 .LBB2_11-.Ltmp4, $4  }
0xc7: {  	v62 =	vor.u32 $0x3, v10;
	v48 =	vcvt.f32.s32 v30;
	v27 =	vmul.f32 v46, v38;
	v38 =	vmovc v43;
	[tilespmem:s21+$0x0] =	vst v45;
	v57 =	vld.idx.msk [tilespmem:v50+s10+$0x0], $0xffff;
	s21 =	smov.u32 s22  }
0xc8: {  	v16 =	vor.u32 $0x2, v10;
	v13 =	vor.u32 $0x2, v39;
	v55 =	vmul.f32 v52, v58;
	[tilespmem:v49+s13+$0x0] =	vst.idx.msk $0xffff, v14;
	v53 =	vld.idx.msk [tilespmem:v19+s10+$0x0], $0xffff  }
0xc9: {  	v56 =	vor.u32 $0x1, v54;
	v14 =	vor.u32 $0x3, v24;
	v60 =	vmul.f32 v60, v18;
	v52 =	vld.idx.msk [tilespmem:v33+s10+$0x0], $0xffff;
	[tilespmem:v41+s13+$0x0] =	vst.idx.msk $0xffff, v63  }
0xca: {  	s26 =	smov.u32 s25;
	s23 =	sadd.s32 $0x50, s23;
	s24 =	sadd.s32 $0x50, s24;
	v34 =	vor.u32 $0x1, v39;
	v19 =	vand.u32 $0x7C, v35;
	[tilespmem:v59+s13+$0x0] =	vst.idx.msk $0xffff, v27;
	v59 =	vmul.f32 v44, v36;
	v36 =	vmovc v61  }
0xcb: {  	v61 =	vmovc v12;
	v49 =	vmov v10;
	v44 =	vmov v15;
	v43 =	vmov v41  }
0xcc: {  	v35 =	vmovc v31;
	v46 =	vmovc v58;
	v27 =	vmov v40;
	v12 =	vmov v62;
	v18 =	vmov v36  }
0xcd: {  	v10 =	vmovc v54;
	v24 =	vmovc v22;
	v40 =	vmov v39;
	v31 =	vmov v21;
	v30 =	vmov v38  }
0xce: {  	v36 =	vmovc v25;
	v39 =	vmovc v26;
	v41 =	vmov v32;
	v15 =	vmov v56;
	v38 =	vmov v37  }
.LBB2_13:
0xcf: {  	_ =	sdelay $0x3  }
0xd0: {  	[tilespmem:v61+s13+$0x0] =	vst.idx.msk @p1 $0xffff, v60  }
0xd1: {  	v21 =	vmul.f32 @p0 v45, v45;
	v22 =	vld.idx.msk @p0 [tilespmem:v29+s10+$0x0], $0xffff;
	[tilespmem:v49+s13+$0x0] =	vst.idx.msk @p0 $0xffff, v55;
	v25 =	vmul.f32 @p1 v57, v17  }
0xd2: {  	[tilespmem:s22+$0xFFFFFFF0] =	vst v42;
	v26 =	vld.idx.msk [tilespmem:v48+s2+$0x0], $0xffff  }
0xd3: {  	[tilespmem:v47+s13+$0x0] =	vst.idx.msk @p1 $0xffff, v59;
	v47 =	vmul.f32 @p0 v51, v18;
	v20 =	vld.idx.msk [tilespmem:v20+s2+$0x0], $0xffff;
	v31 =	vand.u32 $0x7C, v31;
	v17 =	vmov @p0 v21  }
0xd4: {  	v23 =	vld.idx.msk [tilespmem:v23+s2+$0x0], $0xffff;
	v31 =	vor.u32 v31, v36;
	[tilespmem:v50+s13+$0x0] =	vst.idx.msk @p1 $0xffff, v25;
	v32 =	vmul.f32 @p0 v53, v17  }
0xd5: {  	v11 =	vld.idx.msk [tilespmem:v11+s2+$0x0], $0xffff;
	[tilespmem:v28+s13+$0x0] =	vst.idx.msk @p0 $0xffff, v47;
	v25 =	vmov @p0 v46;
	v46 =	vmul.f32 @p0 v52, v24;
	v52 =	vand.u32 $0x7C, v39  }
0xd6: {  	v63 =	vld.idx.msk [tilespmem:v27+s10+$0x0], $0xffff;
	[tilespmem:v40+s13+$0x0] =	vst.idx.msk @p0 $0xffff, v32;
	v28 =	vor.u32 v52, v41  }
0xd7: {  	v19 =	vor.u32 v19, v38;
	v21 =	vld.idx.msk @p0 [tilespmem:v44+s10+$0x0], $0xffff;
	[tilespmem:s22+$0x10] =	vst v26  }
0xd8: {  	v45 =	vor.u32 @p0 $0x2, v35;
	[tilespmem:s21+$0xFFFFFFE0] =	vst v20;
	v32 =	vld.idx.msk @p0 [tilespmem:v34+s10+$0x0], $0xffff  }
0xd9: {  	v37 =	vor.u32 @p0 $0x2, v43;
	v22 =	vmul.f32 @p0 v22, v30;
	[tilespmem:s22+$0x20] =	vst v23;
	v54 =	vld.idx.msk [tilespmem:v10+s10+$0x0], $0xffff  }
0xda: {  	[tilespmem:s21+$0x0] =	vst v11;
	v56 =	vld.idx.msk [tilespmem:v31+s10+$0x0], $0xffff  }
0xdb: {  	v38 =	vor.u32 $0x1, v27;
	[tilespmem:v29+s13+$0x0] =	vst.idx.msk @p0 $0xffff, v22;
	v29 =	vmul.f32 v42, v42;
	v53 =	vld.idx.msk [tilespmem:v28+s10+$0x0], $0xffff  }
0xdc: {  	v59 =	vor.u32 $0x1, v31;
	v26 =	vmul.f32 v26, v26;
	v58 =	vld.idx.msk [tilespmem:v19+s10+$0x0], $0xffff;
	v21 =	vmul.f32 @p0 v21, v25  }
0xdd: {  	v20 =	vmul.f32 v20, v20;
	[tilespmem:v33+s13+$0x0] =	vst.idx.msk @p0 $0xffff, v46;
	v22 =	vld.idx.msk @p0 [tilespmem:v45+s10+$0x0], $0xffff;
	v55 =	vmul.f32 v63, v29  }
0xde: {  	v47 =	vor.u32 $0x1, v19;
	v57 =	vor.u32 $0x1, v28;
	[tilespmem:v44+s13+$0x0] =	vst.idx.msk @p0 $0xffff, v21;
	v21 =	vld.idx.msk @p0 [tilespmem:v37+s10+$0x0], $0xffff;
	v32 =	vmul.f32 @p0 v32, v17  }
0xdf: {  	v23 =	vmul.f32 v23, v23;
	v39 =	vld.idx.msk @p0 [tilespmem:v16+s10+$0x0], $0xffff;
	[tilespmem:v27+s13+$0x0] =	vst.idx.msk $0xffff, v55;
	v36 =	vmul.f32 v54, v20  }
0xe0: {  	v11 =	vmul.f32 v11, v11;
	v60 =	vld.idx.msk [tilespmem:v38+s10+$0x0], $0xffff;
	[tilespmem:v34+s13+$0x0] =	vst.idx.msk @p0 $0xffff, v32;
	v33 =	vmul.f32 v53, v26  }
0xe1: {  	v41 =	vmul.f32 v56, v23;
	v32 =	vld.idx.msk @p0 [tilespmem:v14+s10+$0x0], $0xffff;
	[tilespmem:v10+s13+$0x0] =	vst.idx.msk $0xffff, v36  }
0xe2: {  	v61 =	vmul.f32 v58, v11;
	v62 =	vld.idx.msk [tilespmem:v15+s10+$0x0], $0xffff;
	[tilespmem:v28+s13+$0x0] =	vst.idx.msk $0xffff, v33  }
0xe3: {  	v43 =	vor.u32 @p0 $0x3, v43;
	v22 =	vmul.f32 @p0 v22, v18;
	[tilespmem:v31+s13+$0x0] =	vst.idx.msk $0xffff, v41;
	v33 =	vld.idx.msk [tilespmem:v57+s10+$0x0], $0xffff  }
0xe4: {  	v63 =	vor.u32 $0x2, v27;
	[tilespmem:v19+s13+$0x0] =	vst.idx.msk $0xffff, v61;
	v52 =	vld.idx.msk [tilespmem:v59+s10+$0x0], $0xffff;
	v39 =	vmul.f32 @p0 v39, v25  }
0xe5: {  	v35 =	vor.u32 @p0 $0x3, v35;
	v21 =	vmul.f32 @p0 v21, v30;
	v36 =	vld.idx.msk [tilespmem:v47+s10+$0x0], $0xffff;
	[tilespmem:v45+s13+$0x0] =	vst.idx.msk @p0 $0xffff, v22  }
0xe6: {  	v46 =	vld.idx.msk @p0 [tilespmem:v13+s10+$0x0], $0xffff;
	v53 =	vor.u32 $0x2, v10;
	[tilespmem:v16+s13+$0x0] =	vst.idx.msk @p0 $0xffff, v39;
	v16 =	vmul.f32 v60, v29  }
0xe7: {  	[tilespmem:v37+s13+$0x0] =	vst.idx.msk @p0 $0xffff, v21;
	v21 =	vor.u32 $0x2, v28;
	v22 =	vld.idx.msk @p0 [tilespmem:v12+s10+$0x0], $0xffff;
	v55 =	vmul.f32 v62, v20  }
0xe8: {  	v37 =	vld.idx.msk @p0 [tilespmem:v43+s10+$0x0], $0xffff;
	[tilespmem:v38+s13+$0x0] =	vst.idx.msk $0xffff, v16;
	v16 =	vor.u32 $0x2, v19;
	v33 =	vmul.f32 v33, v26  }
0xe9: {  	v40 =	vor.u32 @p0 $0x3, v40;
	v54 =	vor.u32 $0x2, v31;
	v49 =	vmul.f32 v52, v23;
	v56 =	vld.idx.msk [tilespmem:v63+s10+$0x0], $0xffff;
	[tilespmem:v15+s13+$0x0] =	vst.idx.msk $0xffff, v55  }
0xea: {  	v48 =	vld.idx.msk @p0 [tilespmem:v35+s10+$0x0], $0xffff;
	v12 =	vpsel p0, v12, v0;
	[tilespmem:v57+s13+$0x0] =	vst.idx.msk $0xffff, v33;
	v57 =	vmul.f32 v36, v11  }
0xeb: {  	[tilespmem:v59+s13+$0x0] =	vst.idx.msk $0xffff, v49;
	v58 =	vld.idx.msk [tilespmem:v53+s10+$0x0], $0xffff;
	v36 =	vmul.f32 @p0 v46, v17  }
0xec: {  	v24 =	vmul.f32 @p0 v32, v24;
	v22 =	vmul.f32 @p0 v22, v25;
	v15 =	vld.idx.msk [tilespmem:v21+s10+$0x0], $0xffff;
	[tilespmem:v47+s13+$0x0] =	vst.idx.msk $0xffff, v57  }
0xed: {  	v27 =	vor.u32 $0x3, v27;
	v10 =	vor.u32 $0x3, v10;
	[tilespmem:v13+s13+$0x0] =	vst.idx.msk @p0 $0xffff, v36;
	v13 =	vmul.f32 @p0 v37, v30;
	v30 =	vld.idx.msk [tilespmem:v16+s10+$0x0], $0xffff  }
0xee: {  	[tilespmem:v14+s13+$0x0] =	vst.idx.msk @p0 $0xffff, v24;
	v59 =	vld.idx.msk [tilespmem:v54+s10+$0x0], $0xffff;
	v24 =	vmul.f32 v56, v29;
	v22 =	vpsel p0, v22, v0  }
0xef: {  	v28 =	vor.u32 $0x3, v28;
	[tilespmem:v12+s13+$0x0] =	vst.idx.msk @p0 $0xffff, v22;
	v14 =	vld.idx.msk @p0 [tilespmem:v40+s10+$0x0], $0xffff  }
0xf0: {  	v19 =	vor.u32 $0x3, v19;
	[tilespmem:v63+s13+$0x0] =	vst.idx.msk $0xffff, v24;
	v24 =	vmul.f32 v58, v20  }
0xf1: {  	v18 =	vmul.f32 @p0 v48, v18;
	[tilespmem:v43+s13+$0x0] =	vst.idx.msk @p0 $0xffff, v13;
	v13 =	vmul.f32 v15, v26;
	v15 =	vor.u32 $0x3, v31  }
0xf2: {  	v25 =	vpsel p0, v35, v0;
	v60 =	vld.idx.msk [tilespmem:v27+s10+$0x0], $0xffff;
	[tilespmem:v53+s13+$0x0] =	vst.idx.msk $0xffff, v24;
	v24 =	vmul.f32 v30, v11  }
0xf3: {  	v31 =	vmul.f32 v59, v23;
	[tilespmem:v21+s13+$0x0] =	vst.idx.msk $0xffff, v13;
	v13 =	vpsel p0, v40, v0;
	v30 =	vld.idx.msk [tilespmem:v10+s10+$0x0], $0xffff  }
0xf4: {  	v17 =	vpsel p0, v17, v0;
	v14 =	vpsel p0, v14, v0;
	v21 =	vld.idx.msk [tilespmem:v28+s10+$0x0], $0xffff;
	[tilespmem:v16+s13+$0x0] =	vst.idx.msk $0xffff, v24  }
0xf5: {  	[tilespmem:v54+s13+$0x0] =	vst.idx.msk $0xffff, v31;
	v12 =	vmul.f32 @p0 v14, v17;
	v14 =	vld.idx.msk [tilespmem:v19+s10+$0x0], $0xffff  }
0xf6: {  	v16 =	vpsel p0, v18, v0;
	v31 =	vld.idx.msk [tilespmem:v15+s10+$0x0], $0xffff  }
0xf7: {  	[tilespmem:v25+s13+$0x0] =	vst.idx.msk @p0 $0xffff, v16;
	v16 =	vmul.f32 v60, v29  }
0xf8: {  	[tilespmem:v13+s13+$0x0] =	vst.idx.msk @p0 $0xffff, v12;
	v13 =	vmul.f32 v30, v20  }
0xf9: {  	s22 =	simm.s32 $0x34;
	[tilespmem:v27+s13+$0x0] =	vst.idx.msk $0xffff, v16;
	v16 =	vadd.s32 s20, v8;
	v12 =	vmul.f32 v21, v26  }
0xfa: {  	s25 =	simm.s32 $0x33;
	[tilespmem:v10+s13+$0x0] =	vst.idx.msk $0xffff, v13;
	v10 =	vmul.f32 v14, v11;
	v11 =	vadd.s32 s22, v8  }
0xfb: {  	s23 =	simm.s32 $0x32;
	[tilespmem:v28+s13+$0x0] =	vst.idx.msk $0xffff, v12;
	v12 =	vmul.f32 v31, v23;
	v14 =	vadd.s32 s25, v8  }
0xfc: {  	s24 =	simm.s32 $0x1;
	[tilespmem:v19+s13+$0x0] =	vst.idx.msk $0xffff, v10;
	v10 =	vadd.s32 s23, v8  }
0xfd: {  	s29 =	simm.s32 $0x2;
	v13 =	vadd.s32 s24, v8;
	[tilespmem:v15+s13+$0x0] =	vst.idx.msk $0xffff, v12  }
0xfe: {  	s26 =	simm.s32 $0x36;
	v18 =	vadd.s32 s29, v8;
	v12 =	vld.idx.msk [tilespmem:v16+s11+$0x0], $0xffff  }
0xff: {  	s28 =	simm.s32 $0x4;
	v16 =	vadd.s32 s26, v8;
	v17 =	vld.idx.msk [tilespmem:v11+s11+$0x0], $0xffff  }
0x100: {  	s31 =	simm.s32 $0x35;
	v11 =	vadd.s32 s28, v8;
	v14 =	vld.idx.msk [tilespmem:v14+s11+$0x0], $0xffff  }
0x101: {  	s30 =	simm.s32 $0x3;
	v20 =	vadd.s32 s31, v8;
	v10 =	vld.idx.msk [tilespmem:v10+s11+$0x0], $0xffff  }
0x102: {  	v19 =	vadd.s32 s30, v8;
	v13 =	vld.idx.msk [tilespmem:v13+s11+$0x0], $0xffff  }
0x103: {  	v15 =	vadd.s32 v6, v9;
	v18 =	vld.idx.msk [tilespmem:v18+s11+$0x0], $0xffff;
	v9 =	vshll.u32 v12, $0x2;
	v12 =	vadd.s32 v3, v12  }
0x104: {  	v21 =	vld.idx.msk [tilespmem:v16+s11+$0x0], $0xffff;
	v16 =	vadd.s32 v3, v17  }
0x105: {  	v22 =	vld.idx.msk [tilespmem:v11+s11+$0x0], $0xffff;
	v26 =	vadd.s32 v3, v14  }
0x106: {  	v28 =	vld.idx.msk [tilespmem:v20+s11+$0x0], $0xffff;
	v23 =	vadd.s32 v3, v10  }
0x107: {  	v19 =	vld.idx.msk [tilespmem:v19+s11+$0x0], $0xffff;
	v27 =	vadd.s32 v3, v13  }
0x108: {  	v9 =	vadd.s32 v15, v9;
	v11 =	vshll.u32 v13, $0x2;
	v12 =	vld.idx.msk [tilespmem:v12+s14+$0x0], $0xffff  }
0x109: {  	v11 =	vadd.s32 v15, v11;
	v25 =	vld.idx.msk [tilespmem:v16+s14+$0x0], $0xffff  }
0x10a: {  	v16 =	vadd.s32 v3, v21;
	v29 =	vadd.s32 v3, v22;
	v20 =	vshll.u32 v22, $0x2;
	v22 =	vld.idx.msk [tilespmem:v26+s14+$0x0], $0xffff  }
0x10b: {  	v13 =	vshll.u32 v18, $0x2;
	v23 =	vld.idx.msk [tilespmem:v23+s14+$0x0], $0xffff  }
0x10c: {  	v13 =	vadd.s32 v15, v13;
	v26 =	vld.idx.msk [tilespmem:v27+s14+$0x0], $0xffff  }
0x10d: {  	v24 =	vld.idx.msk [tilespmem:v9+s10+$0x0], $0xffff;
	v20 =	vadd.s32 v15, v20  }
0x10e: {  	v31 =	vadd.s32 v3, v18;
	v10 =	vshll.u32 v10, $0x2;
	v33 =	vld.idx.msk [tilespmem:v11+s10+$0x0], $0xffff  }
0x10f: {  	v10 =	vadd.s32 v15, v10;
	v61 =	vld.idx.msk [tilespmem:v16+s14+$0x0], $0xffff;
	v16 =	vshll.u32 v14, $0x2  }
0x110: {  	v36 =	vld.idx.msk [tilespmem:v29+s14+$0x0], $0xffff;
	v18 =	vadd.s32 v15, v16;
	v14 =	vmul.f32 v23, v12  }
0x111: {  	v62 =	vor.u32 $0x1, v9;
	v30 =	vld.idx.msk [tilespmem:v13+s10+$0x0], $0xffff;
	v16 =	vmul.f32 v22, v26;
	v12 =	vshll.u32 v19, $0x2  }
0x112: {  	v63 =	vshll.u32 v17, $0x2;
	v38 =	vld.idx.msk [tilespmem:v20+s10+$0x0], $0xffff;
	v12 =	vadd.s32 v15, v12;
	v17 =	vmul.f32 v14, v24  }
0x113: {  	v21 =	vshll.u32 v21, $0x2;
	v27 =	vadd.s32 v3, v28;
	v26 =	vmul.f32 v16, v33;
	v24 =	vld.idx.msk [tilespmem:v31+s14+$0x0], $0xffff  }
0x114: {  	v32 =	vor.u32 $0x1, v13;
	v29 =	vadd.s32 v3, v19;
	v19 =	vadd.s32 v15, v21;
	[tilespmem:v10+s13+$0x0] =	vst.idx.add.f32.msk $0xffff, v17  }
0x115: {  	v35 =	vor.u32 $0x1, v11;
	v21 =	vadd.s32 v15, v63;
	v22 =	vmul.f32 v61, v36;
	[tilespmem:v18+s13+$0x0] =	vst.idx.add.f32.msk $0xffff, v26  }
0x116: {  	v33 =	vor.u32 $0x1, v10;
	v23 =	vor.u32 $0x1, v12;
	v17 =	vshll.u32 v28, $0x2;
	v34 =	vld.idx.msk [tilespmem:v62+s10+$0x0], $0xffff  }
0x117: {  	s20 =	simm.s32 $0x5;
	v36 =	vor.u32 $0x1, v20;
	v17 =	vadd.s32 v15, v17;
	v26 =	vmul.f32 v22, v38;
	v31 =	vld.idx.msk [tilespmem:v12+s10+$0x0], $0xffff  }
.LBB2_14:
0x118: {  	s21 =	sadd.s32 $0x32, s20  }
0x119: {  	v37 =	vadd.s32 s20, v8;
	s22 =	sadd.s32 $0x4, s20;
	s23 =	sadd.s32 $0x36, s20;
	v24 =	vmul.f32 v25, v24;
	v25 =	vld.idx.msk [tilespmem:v29+s14+$0x0], $0xffff;
	v28 =	vor.u32 $0x1, v17;
	s24 =	smov.u32 s20  }
0x11a: {  	s25 =	sadd.s32 $0x34, s20;
	s26 =	sadd.s32 $0x3, s20;
	v39 =	vor.u32 $0x2, v9;
	v29 =	vadd.s32 s21, v8;
	s21 =	sadd.s32 $0x1, s20;
	v38 =	vadd.s32 s22, v8;
	[tilespmem:v19+s13+$0x0] =	vst.idx.add.f32.msk $0xffff, v26  }
0x11b: {  	p0 =	slt.u32 s20, $0x2D;
	v40 =	vadd.s32 s23, v8;
	s20 =	sadd.s32 $0x5, s20;
	v26 =	vadd.s32 s21, v8;
	s21 =	sadd.s32 $0x33, s24;
	v35 =	vld.idx.msk [tilespmem:v35+s10+$0x0], $0xffff;
	v30 =	vmul.f32 v24, v30  }
0x11c: {  	v34 =	vmul.f32 v34, v14;
	v41 =	vadd.s32 s21, v8;
	s21 =	sadd.s32 $0x2, s24;
	v36 =	vld.idx.msk [tilespmem:v36+s10+$0x0], $0xffff  }
0x11d: {  	v43 =	vadd.s32 s26, v8;
	v42 =	vadd.s32 s21, v8;
	[tilespmem:v21+s13+$0x0] =	vst.idx.add.f32.msk $0xffff, v30  }
0x11e: {  	v30 =	vld.idx.msk [tilespmem:v32+s10+$0x0], $0xffff  }
0x11f: {  	s21 =	sadd.s32 $0x35, s24;
	[tilespmem:v33+s13+$0x0] =	vst.idx.add.f32.msk $0xffff, v34  }
0x120: {  	v32 =	vadd.s32 s25, v8;
	v33 =	vadd.s32 s21, v8;
	v34 =	vld.idx.msk [tilespmem:v39+s10+$0x0], $0xffff  }
0x121: {  	v39 =	vld.idx.msk [tilespmem:v26+s11+$0x0], $0xffff;
	v26 =	vmul.f32 v35, v16;
	v35 =	vor.u32 $0x1, v18  }
0x122: {  	v44 =	vor.u32 $0x1, v19;
	v27 =	vld.idx.msk [tilespmem:v27+s14+$0x0], $0xffff  }
0x123: {  	v45 =	vor.u32 $0x2, v11;
	v36 =	vmul.f32 v36, v22;
	v37 =	vld.idx.msk [tilespmem:v37+s11+$0x0], $0xffff  }
0x124: {  	v46 =	vor.u32 $0x2, v10;
	v30 =	vmul.f32 v30, v24;
	v29 =	vld.idx.msk [tilespmem:v29+s11+$0x0], $0xffff  }
0x125: {  	v32 =	vld.idx.msk [tilespmem:v32+s11+$0x0], $0xffff  }
0x126: {  	v34 =	vmul.f32 v34, v14;
	[tilespmem:v35+s13+$0x0] =	vst.idx.add.f32.msk $0xffff, v26  }
0x127: {  	[tilespmem:v44+s13+$0x0] =	vst.idx.add.f32.msk $0xffff, v36  }
0x128: {  	v36 =	vor.u32 $0x2, v20;
	v35 =	vld.idx.msk [tilespmem:v45+s10+$0x0], $0xffff  }
0x129: {  	v26 =	vshll.u32 v37, $0x2;
	[tilespmem:v46+s13+$0x0] =	vst.idx.add.f32.msk $0xffff, v34  }
0x12a: {  	v34 =	vadd.s32 v15, v26;
	v40 =	vld.idx.msk [tilespmem:v40+s11+$0x0], $0xffff  }
0x12b: {  	v44 =	vor.u32 $0x1, v21;
	v26 =	vshll.u32 v32, $0x2;
	v38 =	vld.idx.msk [tilespmem:v38+s11+$0x0], $0xffff  }
0x12c: {  	v41 =	vld.idx.msk [tilespmem:v41+s11+$0x0], $0xffff  }
0x12d: {  	v45 =	vor.u32 $0x2, v13;
	v46 =	vmul.f32 v27, v25;
	v25 =	vld.idx.msk [tilespmem:v36+s10+$0x0], $0xffff  }
0x12e: {  	v32 =	vadd.s32 v3, v32;
	v35 =	vmul.f32 v35, v16;
	v27 =	vld.idx.msk [tilespmem:v42+s11+$0x0], $0xffff  }
0x12f: {  	v31 =	vmul.f32 v46, v31;
	v36 =	vld.idx.msk [tilespmem:v34+s10+$0x0], $0xffff  }
0x130: {  	v42 =	vshll.u32 v40, $0x2;
	[tilespmem:v44+s13+$0x0] =	vst.idx.add.f32.msk $0xffff, v30;
	v30 =	vor.u32 $0x2, v19  }
0x131: {  	v20 =	vor.u32 $0x3, v20;
	[tilespmem:v17+s13+$0x0] =	vst.idx.add.f32.msk $0xffff, v31  }
0x132: {  	v31 =	vshll.u32 v41, $0x2;
	v44 =	vld.idx.msk [tilespmem:v45+s10+$0x0], $0xffff  }
0x133: {  	v37 =	vadd.s32 v3, v37;
	v41 =	vadd.s32 v3, v41;
	v25 =	vmul.f32 v25, v22;
	v23 =	vld.idx.msk [tilespmem:v23+s10+$0x0], $0xffff  }
0x134: {  	v47 =	vor.u32 $0x2, v18;
	v45 =	vadd.s32 v3, v39;
	v39 =	vshll.u32 v39, $0x2;
	v43 =	vld.idx.msk [tilespmem:v43+s11+$0x0], $0xffff  }
0x135: {  	v48 =	vor.u32 $0x2, v21;
	v39 =	vadd.s32 v15, v39;
	[tilespmem:v30+s13+$0x0] =	vst.idx.add.f32.msk $0xffff, v25  }
0x136: {  	v30 =	vshll.u32 v29, $0x2;
	v20 =	vld.idx.msk [tilespmem:v20+s10+$0x0], $0xffff  }
0x137: {  	v49 =	vor.u32 $0x2, v12;
	v25 =	vld.idx.msk [tilespmem:v32+s14+$0x0], $0xffff;
	v32 =	vor.u32 $0x3, v9;
	v9 =	vmov v34  }
0x138: {  	v34 =	vadd.s32 v3, v29;
	v50 =	vld.idx.msk [tilespmem:v33+s11+$0x0], $0xffff;
	v33 =	vmul.f32 v44, v24  }
0x139: {  	v44 =	vadd.s32 v3, v27;
	v27 =	vshll.u32 v27, $0x2;
	v23 =	vmul.f32 v23, v46;
	[tilespmem:v47+s13+$0x0] =	vst.idx.add.f32.msk $0xffff, v35  }
0x13a: {  	v40 =	vadd.s32 v3, v40;
	v29 =	vadd.s32 v3, v43;
	v35 =	vshll.u32 v43, $0x2;
	[tilespmem:v48+s13+$0x0] =	vst.idx.add.f32.msk $0xffff, v33  }
0x13b: {  	v33 =	vadd.s32 v15, v35;
	[tilespmem:v28+s13+$0x0] =	vst.idx.add.f32.msk $0xffff, v23  }
0x13c: {  	v23 =	vshll.u32 v38, $0x2;
	v22 =	vmul.f32 v20, v22;
	v28 =	vld.idx.msk [tilespmem:v32+s10+$0x0], $0xffff;
	v32 =	vor.u32 $0x3, v13  }
0x13d: {  	v35 =	vadd.s32 v3, v38;
	v20 =	vadd.s32 v15, v23;
	v23 =	vld.idx.msk [tilespmem:v49+s10+$0x0], $0xffff  }
0x13e: {  	v13 =	vadd.s32 v15, v27;
	v34 =	vld.idx.msk [tilespmem:v34+s14+$0x0], $0xffff  }
0x13f: {  	v43 =	vor.u32 $0x2, v17;
	v38 =	vld.idx.msk [tilespmem:v40+s14+$0x0], $0xffff;
	v40 =	vor.u32 $0x3, v11;
	v11 =	vmov v39  }
0x140: {  	v39 =	vld.idx.msk [tilespmem:v41+s14+$0x0], $0xffff;
	v41 =	vor.u32 $0x3, v12;
	v12 =	vmov v33  }
0x141: {  	v32 =	vld.idx.msk [tilespmem:v32+s10+$0x0], $0xffff  }
0x142: {  	v27 =	vadd.s32 v3, v50;
	v28 =	vmul.f32 v28, v14;
	v33 =	vld.idx.msk [tilespmem:v37+s14+$0x0], $0xffff;
	v37 =	vadd.s32 v15, v30  }
0x143: {  	v14 =	vmul.f32 v23, v46;
	v30 =	vld.idx.msk [tilespmem:v13+s10+$0x0], $0xffff  }
0x144: {  	v21 =	vor.u32 $0x3, v21;
	v40 =	vld.idx.msk [tilespmem:v40+s10+$0x0], $0xffff  }
0x145: {  	v23 =	vor.u32 $0x1, v12;
	[tilespmem:v43+s13+$0x0] =	vst.idx.add.f32.msk $0xffff, v14  }
0x146: {  	v41 =	vld.idx.msk [tilespmem:v41+s10+$0x0], $0xffff  }
0x147: {  	v18 =	vor.u32 $0x3, v18;
	v14 =	vmul.f32 v32, v24;
	v43 =	vld.idx.msk [tilespmem:v45+s14+$0x0], $0xffff  }
0x148: {  	v19 =	vor.u32 $0x3, v19;
	v32 =	vor.u32 $0x1, v13;
	v45 =	vld.idx.msk [tilespmem:v20+s10+$0x0], $0xffff  }
0x149: {  	v24 =	vor.u32 $0x3, v10;
	v10 =	vmov v37;
	[tilespmem:v21+s13+$0x0] =	vst.idx.add.f32.msk $0xffff, v14  }
0x14a: {  	v16 =	vmul.f32 v40, v16;
	v21 =	vld.idx.msk [tilespmem:v11+s10+$0x0], $0xffff  }
0x14b: {  	v14 =	vmul.f32 v34, v33;
	v33 =	vor.u32 $0x1, v10;
	v34 =	vor.u32 $0x3, v17;
	v37 =	vld.idx.msk [tilespmem:v35+s14+$0x0], $0xffff  }
0x14c: {  	v17 =	vshll.u32 v50, $0x2;
	v35 =	vmul.f32 v41, v46;
	[tilespmem:v18+s13+$0x0] =	vst.idx.add.f32.msk $0xffff, v16  }
0x14d: {  	v40 =	vor.u32 $0x1, v9;
	v17 =	vadd.s32 v15, v17;
	v36 =	vmul.f32 v14, v36;
	[tilespmem:v19+s13+$0x0] =	vst.idx.add.f32.msk $0xffff, v22  }
0x14e: {  	v18 =	vadd.s32 v15, v31;
	[tilespmem:v24+s13+$0x0] =	vst.idx.add.f32.msk $0xffff, v28  }
0x14f: {  	v16 =	vmul.f32 v39, v43;
	v24 =	vld.idx.msk [tilespmem:v44+s14+$0x0], $0xffff  }
.Ltmp5:
0x150: {  	[tilespmem:v10+s13+$0x0] =	vst.idx.add.f32.msk $0xffff, v36;
	(pc) =	sbr.rel @p0 .LBB2_14-.Ltmp5, $4  }
0x151: {  	v19 =	vadd.s32 v15, v42;
	v21 =	vmul.f32 v16, v21;
	[tilespmem:v34+s13+$0x0] =	vst.idx.add.f32.msk $0xffff, v35  }
0x152: {  	v22 =	vmul.f32 v38, v37;
	v35 =	vor.u32 $0x1, v11;
	v34 =	vld.idx.msk [tilespmem:v40+s10+$0x0], $0xffff  }
0x153: {  	v36 =	vor.u32 $0x1, v20;
	[tilespmem:v18+s13+$0x0] =	vst.idx.add.f32.msk $0xffff, v21  }
0x154: {  	v21 =	vadd.s32 v15, v26;
	v26 =	vmul.f32 v22, v45;
	v31 =	vld.idx.msk [tilespmem:v12+s10+$0x0], $0xffff  }
0x155: {  	_ =	sdelay $0x3  }
0x156: {  	v8 =	vld.idx.msk [tilespmem:v29+s14+$0x0], $0xffff  }
0x157: {  	v15 =	vmul.f32 v25, v24;
	v58 =	vld.idx.msk [tilespmem:v27+s14+$0x0], $0xffff  }
0x158: {  	v28 =	vld.idx.msk [tilespmem:v35+s10+$0x0], $0xffff  }
0x159: {  	v59 =	vor.u32 $0x2, v9;
	[tilespmem:v19+s13+$0x0] =	vst.idx.add.f32.msk $0xffff, v26;
	v60 =	vmul.f32 v15, v30  }
0x15a: {  	v37 =	vor.u32 $0x1, v18;
	v57 =	vld.idx.msk [tilespmem:v36+s10+$0x0], $0xffff;
	v62 =	vmul.f32 v34, v14  }
0x15b: {  	v38 =	vor.u32 $0x2, v11;
	[tilespmem:v21+s13+$0x0] =	vst.idx.add.f32.msk $0xffff, v60  }
0x15c: {  	[tilespmem:v33+s13+$0x0] =	vst.idx.add.f32.msk $0xffff, v62  }
0x15d: {  	v32 =	vld.idx.msk [tilespmem:v32+s10+$0x0], $0xffff;
	v8 =	vmul.f32 v58, v8;
	v28 =	vmul.f32 v28, v16  }
0x15e: {  	v61 =	vor.u32 $0x1, v19;
	v36 =	vld.idx.msk [tilespmem:v59+s10+$0x0], $0xffff  }
0x15f: {  	v63 =	vor.u32 $0x2, v20;
	v39 =	vmul.f32 v8, v31;
	[tilespmem:v37+s13+$0x0] =	vst.idx.add.f32.msk $0xffff, v28  }
0x160: {  	v40 =	vor.u32 $0x1, v21;
	v30 =	vld.idx.msk [tilespmem:v38+s10+$0x0], $0xffff  }
0x161: {  	v42 =	vor.u32 $0x2, v10;
	v24 =	vmul.f32 v57, v22;
	[tilespmem:v17+s13+$0x0] =	vst.idx.add.f32.msk $0xffff, v39  }
0x162: {  	v41 =	vor.u32 $0x2, v13;
	v23 =	vld.idx.msk [tilespmem:v23+s10+$0x0], $0xffff  }
0x163: {  	v53 =	vor.u32 $0x3, v9;
	[tilespmem:v61+s13+$0x0] =	vst.idx.add.f32.msk $0xffff, v24;
	v32 =	vmul.f32 v32, v15  }
0x164: {  	v44 =	vor.u32 $0x1, v17;
	v27 =	vld.idx.msk [tilespmem:v63+s10+$0x0], $0xffff;
	v25 =	vmul.f32 v36, v14  }
0x165: {  	v45 =	vor.u32 $0x2, v12;
	[tilespmem:v40+s13+$0x0] =	vst.idx.add.f32.msk $0xffff, v32  }
0x166: {  	v47 =	vor.u32 $0x2, v18;
	[tilespmem:v42+s13+$0x0] =	vst.idx.add.f32.msk $0xffff, v25  }
0x167: {  	v52 =	vor.u32 $0x3, v11;
	v31 =	vld.idx.msk [tilespmem:v41+s10+$0x0], $0xffff;
	v23 =	vmul.f32 v23, v8  }
0x168: {  	v43 =	vor.u32 $0x2, v19;
	v9 =	vld.idx.msk [tilespmem:v53+s10+$0x0], $0xffff  }
0x169: {  	v46 =	vor.u32 $0x3, v20;
	v50 =	vmul.f32 v30, v16;
	[tilespmem:v44+s13+$0x0] =	vst.idx.add.f32.msk $0xffff, v23  }
0x16a: {  	v48 =	vor.u32 $0x2, v21;
	v51 =	vld.idx.msk [tilespmem:v45+s10+$0x0], $0xffff  }
0x16b: {  	v49 =	vor.u32 $0x3, v13;
	v27 =	vmul.f32 v27, v22;
	[tilespmem:v47+s13+$0x0] =	vst.idx.add.f32.msk $0xffff, v50  }
0x16c: {  	v55 =	vor.u32 $0x2, v17;
	v11 =	vld.idx.msk [tilespmem:v52+s10+$0x0], $0xffff  }
0x16d: {  	v56 =	vor.u32 $0x3, v12;
	[tilespmem:v43+s13+$0x0] =	vst.idx.add.f32.msk $0xffff, v27;
	v54 =	vmul.f32 v31, v15  }
0x16e: {  	v20 =	vld.idx.msk [tilespmem:v46+s10+$0x0], $0xffff  }
0x16f: {  	[tilespmem:v48+s13+$0x0] =	vst.idx.add.f32.msk $0xffff, v54;
	v57 =	vmul.f32 v51, v8  }
0x170: {  	v61 =	vor.u32 $0x3, v10;
	v13 =	vld.idx.msk [tilespmem:v49+s10+$0x0], $0xffff  }
0x171: {  	v59 =	vor.u32 $0x3, v18;
	[tilespmem:v55+s13+$0x0] =	vst.idx.add.f32.msk $0xffff, v57  }
0x172: {  	v60 =	vor.u32 $0x3, v19;
	v12 =	vld.idx.msk [tilespmem:v56+s10+$0x0], $0xffff  }
0x173: {  	s19 =	sadd.s32 $0x1, s19;
	v58 =	vor.u32 $0x3, v21;
	v9 =	vmul.f32 v9, v14  }
0x174: {  	p0 =	sne.s32 s19, $0x8;
	v62 =	vor.u32 $0x3, v17;
	v11 =	vmul.f32 v11, v16  }
.Ltmp6:
0x175: {  	[tilespmem:v61+s13+$0x0] =	vst.idx.add.f32.msk $0xffff, v9;
	v63 =	vmul.f32 v20, v22;
	(pc) =	sbr.rel @p0 .LBB2_3-.Ltmp6, $4  }
.Ltmp7:
0x176: {  	[tilespmem:v59+s13+$0x0] =	vst.idx.add.f32.msk $0xffff, v11;
	v13 =	vmul.f32 v13, v15;
	(pc) =	sbr.rel @!p0 .LBB2_16-.Ltmp7, $4  }
0x177: {  	[tilespmem:v60+s13+$0x0] =	vst.idx.add.f32.msk $0xffff, v63;
	v8 =	vmul.f32 v12, v8  }
0x178: {  	[tilespmem:v58+s13+$0x0] =	vst.idx.add.f32.msk $0xffff, v13  }
0x179: {  	[tilespmem:v62+s13+$0x0] =	vst.idx.add.f32.msk $0xffff, v8  }
0x17a: {  	_ = 	snop  }
.LBB2_6:
.Ltmp8:
0x17b: {  	(pc) =	sbr.rel .LBB2_13-.Ltmp8, $3  }
0x17c: {  	_ =	sdelay $0x1  }
0x17d: {  	v27 =	vmov v14;
	v10 =	vmov v49  }
0x17e: {  	s22 =	simm.s32 $0x9BA0;
	v31 =	vmovc v15;
	v36 =	vmovc v21;
	v39 =	vmov v16;
	v15 =	vmov v44;
	v38 =	vmov v13  }
.LBB2_8:
.Ltmp9:
0x17f: {  	(pc) =	sbr.rel .LBB2_13-.Ltmp9, $2  }
0x180: {  	_ =	sdelay $0x2  }
0x181: {  	s21 =	simm.s32 $0x9BF0  }
.LBB2_10:
.Ltmp10:
0x182: {  	(pc) =	sbr.rel .LBB2_13-.Ltmp10, $4  }
0x183: {  	v61 =	vmovc v12;
	v49 =	vmov v10;
	v44 =	vmov v15;
	v43 =	vmov v41  }
0x184: {  	v35 =	vmovc v31;
	v46 =	vmovc v58;
	v27 =	vmov v40;
	v12 =	vmov v62;
	v18 =	vmov v36  }
0x185: {  	v10 =	vmovc v54;
	v24 =	vmovc v22;
	v40 =	vmov v39;
	v31 =	vmov v21;
	v30 =	vmov v38  }
0x186: {  	s22 =	simm.s32 $0x9C40;
	v36 =	vmovc v25;
	v39 =	vmovc v26;
	v41 =	vmov v32;
	v15 =	vmov v56;
	v38 =	vmov v37;
	s21 =	simm.s32 $0x9C40  }
.LBB2_16:
0x187: {  	s24 =	simm.s32 $0x4720;
	s29 =	simm.s32 $0x300  }
0x188: {  	s28 =	simm.s32 $0x100;
	v9 =	vld [tilespmem:s24+$0x50];
	v10 =	vor.u32 s29, v0  }
0x189: {  	s25 =	simm.s32 $0x200;
	v11 =	vld [tilespmem:s24+$0xFFFFFFB0];
	v12 =	vor.u32 s28, v0  }
0x18a: {  	v13 =	vor.u32 s25, v0;
	v14 =	vld [tilespmem:s24+$0x0];
	_ =	sdelay $0x1  }
0x18b: {  	s26 =	simm.s32 $0x0  }
0x18c: {  	v8 =	vor.u32 $0x10, v0;
	v15 =	vor.u32 s26, v0;
	v16 =	vld [tilespmem:s24+$0xFFFFFF60];
	[tilespmem:v10+s15+$0x0] =	vst.idx.msk $0xffff, v9  }
0x18d: {  	[tilespmem:v12+s15+$0x0] =	vst.idx.msk $0xffff, v11;
	v10 =	vor.u32 s29, v8;
	v9 =	vld [tilespmem:s24+$0x60]  }
0x18e: {  	v12 =	vor.u32 s28, v8;
	[tilespmem:v13+s15+$0x0] =	vst.idx.msk $0xffff, v14;
	v11 =	vld [tilespmem:s24+$0xFFFFFFC0]  }
0x18f: {  	v13 =	vor.u32 s25, v8;
	v14 =	vld [tilespmem:s24+$0x10];
	_ =	sdelay $0x1  }
0x190: {  	[tilespmem:v15+s15+$0x0] =	vst.idx.msk $0xffff, v16  }
0x191: {  	[tilespmem:v10+s15+$0x0] =	vst.idx.msk $0xffff, v9  }
0x192: {  	v15 =	vor.u32 s26, v8;
	v16 =	vld [tilespmem:s24+$0xFFFFFF70];
	[tilespmem:v12+s15+$0x0] =	vst.idx.msk $0xffff, v11  }
0x193: {  	v11 =	vor.u32 s29, v7;
	[tilespmem:v13+s15+$0x0] =	vst.idx.msk $0xffff, v14;
	v10 =	vld [tilespmem:s24+$0x70]  }
0x194: {  	v13 =	vor.u32 s25, v7;
	v14 =	vld [tilespmem:s24+$0x20]  }
0x195: {  	v12 =	vor.u32 s28, v7;
	v17 =	vld [tilespmem:s24+$0xFFFFFFD0]  }
0x196: {  	s20 =	simm.s32 $0x700;
	s19 =	simm.s32 $0x4860  }
0x197: {  	v19 =	vld [tilespmem:s19+$0x50];
	v20 =	vor.u32 s20, v0;
	[tilespmem:v15+s15+$0x0] =	vst.idx.msk $0xffff, v16  }
0x198: {  	s21 =	simm.s32 $0x500;
	v15 =	vor.u32 s26, v7;
	v16 =	vld [tilespmem:s24+$0xFFFFFF80];
	[tilespmem:v11+s15+$0x0] =	vst.idx.msk $0xffff, v10  }
0x199: {  	v9 =	vadd.s32 $0x88, v0;
	[tilespmem:v13+s15+$0x0] =	vst.idx.msk $0xffff, v14;
	v13 =	vld [tilespmem:s19+$0xFFFFFFB0];
	v14 =	vor.u32 s21, v0  }
0x19a: {  	[tilespmem:v12+s15+$0x0] =	vst.idx.msk $0xffff, v17;
	v12 =	vor.u32 s29, v9;
	v11 =	vld [tilespmem:s24+$0x80]  }
0x19b: {  	v18 =	vor.u32 s28, v9;
	v17 =	vld [tilespmem:s24+$0xFFFFFFE0]  }
0x19c: {  	s22 =	simm.s32 $0x600;
	[tilespmem:v20+s15+$0x0] =	vst.idx.msk $0xffff, v19  }
0x19d: {  	s23 =	simm.s32 $0x400;
	[tilespmem:v15+s15+$0x0] =	vst.idx.msk $0xffff, v16;
	v15 =	vor.u32 s22, v0;
	v16 =	vld [tilespmem:s19+$0x0]  }
0x19e: {  	v21 =	vor.u32 s23, v0;
	v22 =	vld [tilespmem:s19+$0xFFFFFF60];
	[tilespmem:v14+s15+$0x0] =	vst.idx.msk $0xffff, v13  }
0x19f: {  	v13 =	vld [tilespmem:s19+$0x60];
	v14 =	vor.u32 s20, v8;
	[tilespmem:v12+s15+$0x0] =	vst.idx.msk $0xffff, v11  }
0x1a0: {  	v10 =	vadd.s32 $0x98, v0;
	[tilespmem:v18+s15+$0x0] =	vst.idx.msk $0xffff, v17;
	v17 =	vor.u32 s25, v9;
	v18 =	vld [tilespmem:s24+$0x30]  }
0x1a1: {  	v12 =	vor.u32 s29, v10;
	v11 =	vld [tilespmem:s24+$0x90]  }
0x1a2: {  	v20 =	vor.u32 s21, v8;
	[tilespmem:v15+s15+$0x0] =	vst.idx.msk $0xffff, v16;
	v19 =	vld [tilespmem:s19+$0xFFFFFFC0]  }
0x1a3: {  	[tilespmem:v21+s15+$0x0] =	vst.idx.msk $0xffff, v22;
	v15 =	vor.u32 s22, v8;
	v16 =	vld [tilespmem:s19+$0x10]  }
0x1a4: {  	v21 =	vor.u32 s23, v8;
	v22 =	vld [tilespmem:s19+$0xFFFFFF70];
	[tilespmem:v14+s15+$0x0] =	vst.idx.msk $0xffff, v13  }
0x1a5: {  	v13 =	vld [tilespmem:s24+$0xFFFFFFF0];
	[tilespmem:v17+s15+$0x0] =	vst.idx.msk $0xffff, v18;
	v17 =	vor.u32 s28, v10  }
0x1a6: {  	[tilespmem:v12+s15+$0x0] =	vst.idx.msk $0xffff, v11;
	v11 =	vor.u32 s26, v9;
	v12 =	vld [tilespmem:s24+$0xFFFFFF90]  }
0x1a7: {  	v23 =	vor.u32 s20, v7;
	[tilespmem:v20+s15+$0x0] =	vst.idx.msk $0xffff, v19;
	v20 =	vld [tilespmem:s19+$0x70]  }
0x1a8: {  	v24 =	vor.u32 s21, v7;
	[tilespmem:v15+s15+$0x0] =	vst.idx.msk $0xffff, v16;
	v25 =	vld [tilespmem:s19+$0xFFFFFFD0]  }
0x1a9: {  	[tilespmem:v21+s15+$0x0] =	vst.idx.msk $0xffff, v22;
	v15 =	vor.u32 s22, v7;
	v19 =	vld [tilespmem:s19+$0x20]  }
0x1aa: {  	v18 =	vld [tilespmem:s19+$0xFFFFFF80];
	[tilespmem:v17+s15+$0x0] =	vst.idx.msk $0xffff, v13;
	v13 =	vor.u32 s23, v7  }
0x1ab: {  	v14 =	vor.u32 s25, v10;
	v16 =	vld [tilespmem:s24+$0x40];
	[tilespmem:v11+s15+$0x0] =	vst.idx.msk $0xffff, v12  }
0x1ac: {  	[tilespmem:v23+s15+$0x0] =	vst.idx.msk $0xffff, v20;
	v11 =	vor.u32 s26, v10;
	v17 =	vld [tilespmem:s24+$0xFFFFFFA0]  }
0x1ad: {  	v21 =	vor.u32 s20, v9;
	s25 =	simm.s32 $0x800;
	v12 =	vor.u32 s23, v9;
	[tilespmem:v24+s15+$0x0] =	vst.idx.msk $0xffff, v25;
	v20 =	vld [tilespmem:s19+$0x80];
	s26 =	simm.s32 $0x4860;
	s24 =	simm.s32 $0x4  }
.LBB2_17:
0x1ae: {  	v22 =	vor.u32 s25, v0;
	v23 =	vor.u32 s25, v7;
	s28 =	sadd.s32 $0x300, s25;
	s24 =	sadd.s32 $0x4, s24;
	v24 =	vld [tilespmem:s19+$0xFFFFFFE0];
	v25 =	vor.u32 s21, v9;
	[tilespmem:v15+s15+$0x0] =	vst.idx.msk $0xffff, v19;
	s26 =	sadd.s32 $0x140, s26  }
0x1af: {  	s29 =	sadd.s32 $0x100, s25;
	s30 =	sadd.s32 $0x200, s25;
	v19 =	vld [tilespmem:s26+$0x50];
	v26 =	vor.u32 s28, v0;
	p0 =	slt.u32 s24, $0x3C;
	[tilespmem:v13+s15+$0x0] =	vst.idx.msk $0xffff, v18;
	v18 =	vor.u32 s22, v9;
	v13 =	vmov v23  }
0x1b0: {  	v27 =	vor.u32 s29, v0;
	v28 =	vor.u32 s29, v7;
	v29 =	vor.u32 s30, v0;
	v23 =	vld [tilespmem:s26+$0xFFFFFFB0];
	[tilespmem:v14+s15+$0x0] =	vst.idx.msk $0xffff, v16  }
0x1b1: {  	v15 =	vor.u32 s30, v7;
	v16 =	vld [tilespmem:s26+$0x0];
	[tilespmem:v11+s15+$0x0] =	vst.idx.msk $0xffff, v17  }
0x1b2: {  	v17 =	vld [tilespmem:s26+$0xFFFFFF60];
	[tilespmem:v21+s15+$0x0] =	vst.idx.msk $0xffff, v20  }
0x1b3: {  	v11 =	vor.u32 s23, v10;
	s23 =	smov.u32 s25;
	v21 =	vor.u32 s20, v10;
	s20 =	smov.u32 s28;
	[tilespmem:v25+s15+$0x0] =	vst.idx.msk $0xffff, v24;
	v20 =	vld [tilespmem:s19+$0x90]  }
0x1b4: {  	v14 =	vor.u32 s22, v10;
	s22 =	smov.u32 s30;
	v24 =	vor.u32 s21, v10;
	s21 =	smov.u32 s29;
	[tilespmem:v26+s15+$0x0] =	vst.idx.msk $0xffff, v19;
	v19 =	vld [tilespmem:s19+$0x30]  }
0x1b5: {  	v25 =	vor.u32 s25, v8;
	v26 =	vor.u32 s20, v8;
	[tilespmem:v27+s15+$0x0] =	vst.idx.msk $0xffff, v23;
	v23 =	vld [tilespmem:s26+$0x60]  }
0x1b6: {  	v30 =	vor.u32 s21, v8;
	v27 =	vld [tilespmem:s26+$0xFFFFFFC0];
	[tilespmem:v29+s15+$0x0] =	vst.idx.msk $0xffff, v16;
	v16 =	vor.u32 s22, v8  }
0x1b7: {  	[tilespmem:v22+s15+$0x0] =	vst.idx.msk $0xffff, v17;
	v17 =	vld [tilespmem:s26+$0x10]  }
0x1b8: {  	v22 =	vld [tilespmem:s26+$0xFFFFFF70];
	[tilespmem:v21+s15+$0x0] =	vst.idx.msk $0xffff, v20  }
0x1b9: {  	v20 =	vld [tilespmem:s19+$0xFFFFFF90];
	[tilespmem:v18+s15+$0x0] =	vst.idx.msk $0xffff, v19  }
0x1ba: {  	[tilespmem:v26+s15+$0x0] =	vst.idx.msk $0xffff, v23;
	v21 =	vld [tilespmem:s19+$0xFFFFFFF0]  }
0x1bb: {  	v26 =	vor.u32 s20, v7;
	[tilespmem:v30+s15+$0x0] =	vst.idx.msk $0xffff, v27;
	v23 =	vld [tilespmem:s26+$0x70]  }
0x1bc: {  	v27 =	vld [tilespmem:s26+$0xFFFFFFD0];
	[tilespmem:v16+s15+$0x0] =	vst.idx.msk $0xffff, v17  }
.Ltmp11:
0x1bd: {  	[tilespmem:v25+s15+$0x0] =	vst.idx.msk $0xffff, v22;
	v19 =	vld [tilespmem:s26+$0x20];
	(pc) =	sbr.rel @p0 .LBB2_17-.Ltmp11, $4  }
0x1be: {  	v18 =	vld [tilespmem:s26+$0xFFFFFF80];
	[tilespmem:v12+s15+$0x0] =	vst.idx.msk $0xffff, v20  }
0x1bf: {  	[tilespmem:v24+s15+$0x0] =	vst.idx.msk $0xffff, v21;
	v16 =	vld [tilespmem:s19+$0x40]  }
0x1c0: {  	[tilespmem:v26+s15+$0x0] =	vst.idx.msk $0xffff, v23;
	v17 =	vld [tilespmem:s19+$0xFFFFFFA0];
	s19 =	smov.u32 s26  }
0x1c1: {  	s25 =	sadd.s32 $0x400, s25;
	v12 =	vor.u32 s23, v9;
	v21 =	vor.u32 s20, v9;
	[tilespmem:v28+s15+$0x0] =	vst.idx.msk $0xffff, v27;
	v20 =	vld [tilespmem:s26+$0x80]  }
0x1c2: {  	_ =	sdelay $0x3  }
0x1c3: {  	v8 =	vld [tilespmem:s19+$0xFFFFFFE0];
	v22 =	vor.u32 s21, v9;
	[tilespmem:v15+s15+$0x0] =	vst.idx.msk $0xffff, v19  }
0x1c4: {  	v54 =	vor.u32 s22, v9;
	[tilespmem:v13+s15+$0x0] =	vst.idx.msk $0xffff, v18;
	v55 =	vld [tilespmem:s19+$0x30]  }
0x1c5: {  	v56 =	vld [tilespmem:s19+$0xFFFFFF90];
	_ =	sdelay $0x1  }
0x1c6: {  	[tilespmem:v21+s15+$0x0] =	vst.idx.msk $0xffff, v20  }
0x1c7: {  	v57 =	vor.u32 s20, v10;
	[tilespmem:v22+s15+$0x0] =	vst.idx.msk $0xffff, v8;
	v8 =	vld [tilespmem:s19+$0x90]  }
0x1c8: {  	v58 =	vor.u32 s21, v10;
	[tilespmem:v54+s15+$0x0] =	vst.idx.msk $0xffff, v55;
	v59 =	vld [tilespmem:s19+$0xFFFFFFF0]  }
0x1c9: {  	v60 =	vor.u32 s22, v10;
	[tilespmem:v12+s15+$0x0] =	vst.idx.msk $0xffff, v56;
	v61 =	vld [tilespmem:s19+$0x40]  }
0x1ca: {  	v62 =	vor.u32 s23, v10;
	[tilespmem:v14+s15+$0x0] =	vst.idx.msk $0xffff, v16;
	v63 =	vld [tilespmem:s19+$0xFFFFFFA0]  }
0x1cb: {  	[tilespmem:v11+s15+$0x0] =	vst.idx.msk $0xffff, v17  }
0x1cc: {  	[tilespmem:v57+s15+$0x0] =	vst.idx.msk $0xffff, v8  }
0x1cd: {  	s17 =	sadd.s32 $0x1, s17;
	[tilespmem:v58+s15+$0x0] =	vst.idx.msk $0xffff, v59  }
0x1ce: {  	s18 =	sshll.u32 s18, $0x4;
	p0 =	sne.s32 s17, $0x4;
	[tilespmem:v60+s15+$0x0] =	vst.idx.msk $0xffff, v61  }
.Ltmp12:
0x1cf: {  	s18 =	sadd.s32 s6, s18;
	[tilespmem:v62+s15+$0x0] =	vst.idx.msk $0xffff, v63;
	(pc) =	sbr.rel @p0 .LBB2_2-.Ltmp12, $4  }
0x1d0: {  	[hbm4b:s18+s2] =	stream.linear.scatter [tilespmem:s15], [sflag:$0x1], $0x4000, $0x38;
	[tilespmem:$0x9C80] =	vst v63  }
0x1d1: {  	_ =	swait.ge [sflag:s9], $0x4000  }
0x1d2: {  	[sflag:s9] =	ssyncset.done $0x0  }
0x1d3: {  	[sflag:s9] =	ssyncadd.s32 $0xFFFFC000  }
0x1d4: {  	s16 =	sadd.s32 $0x1, s16  }
0x1d5: {  	p0 =	sne.s32 s16, s8  }
.Ltmp13:
0x1d6: {  	_ = 	snop;
	(pc) =	sbr.rel @p0 .LBB2_1-.Ltmp13, $1  }
0x1d7: {  	_ =	sdelay $0x3  }
0x1d8: {  	_ =	sfence.sel $0x180000  }
0x1d9: {  	[bflag:$0x0] =	sbarrier.arrive $0xFFFF  }
0x1da: {  	p0 =	sne.s32 s4, $0x0;
	_ =	strace $0x90000047  }
0x1db: {  	s0 =	sadd.s32 @!p0 $0x100000, s0;
	[bflag:$0x2] =	sbarrier.arrive $0xFFFF  }
0x1dc: {  	[sflag:s0] =	ssyncadd.tile.s32 @!p0 $0x1;
	_ =	shalt  }
.Lfunc_end2:
_tile_overlayer_lowered:
.L_overlay_start_2:
0x1dd: {  	(tag) =	ssettag $0x2  }
0x1de: {  	s0 =	rddreg [dreg:$0x0];
	s2 =	stileid.u32  }
0x1df: {  	s1 =	rddreg [dreg:$0x1];
	p0 =	sne.s32 s2, $0x0  }
0x1e0: {  	s3 =	rddreg [dreg:$0x2];
	[bflag:$0x3] =	sbarrier.arrive $0xFFFF;
	s2 =	simm.s32 @!p0 $0x1C01  }
0x1e1: {  	[timem:s3], [sflag:s2] =	dma.local @!p0 [hbm:s0], s1  }
0x1e2: {  	s0 =	simm.s32 @!p0 $0x1  }
0x1e3: {  	_ =	swait.ge @!p0 [sflag:s0], s1  }
0x1e4: {  	s1 =	ssub.s32 @!p0 $0x0, s1;
	[sflag:s0] =	ssyncset.done @!p0 $0x0  }
0x1e5: {  	[sflag:s0] =	ssyncadd.s32 @!p0 s1  }
0x1e6: {  	[bflag:$0x3] =	sbarrier.arrive $0xFFFF  }
0x1e7: {  	_ =	shalt  }

</sc_bundles>
